<compile_context>
chip_gen: v7x
topology: tpu7x:2x2x1
jax: 0.10.2.dev20260603
libtpu: 0.0.44.dev20260713+nightly
codegen_flags: <defaults>
</compile_context>

<pallas_src>
import functools

import jax
import jax.numpy as jnp
from jax import lax
from jax.experimental import pallas as pl
from jax.experimental.pallas import tpu as pltpu
from jax.experimental.pallas import tpu_sc as plsc



def _sc_gather(word_table, word_idx):
    n, = word_idx.shape
    dw = word_table.shape[1]
    nw = 32
    bpw = n // nw
    ch = 200
    nch = bpw // ch
    nbuf = 4
    assert bpw % ch == 0 and n % nw == 0 and ch % 8 == 0

    mesh = plsc.VectorSubcoreMesh(core_axis_name="c", subcore_axis_name="s")

    @functools.partial(
        pl.kernel,
        mesh=mesh,
        out_type=jax.ShapeDtypeStruct((n, dw), jnp.float32),
        scratch_types=[
            pltpu.VMEM((bpw,), jnp.int32),
        ] + [pltpu.VMEM((ch, dw), jnp.float32)] * nbuf
          + [pltpu.SemaphoreType.DMA] * (2 * nbuf),
    )
    def k(wt_hbm, wi_hbm, wout_hbm, wi_v, *bufsem):
        bufs = bufsem[:nbuf]
        gsem = bufsem[nbuf:2 * nbuf]
        wsem = bufsem[2 * nbuf:]
        wid = lax.axis_index("s") * 2 + lax.axis_index("c")
        base = wid * bpw
        pltpu.sync_copy(wi_hbm.at[pl.ds(base, bpw)], wi_v)

        def start_gather(c):
            return pltpu.async_copy(
                wt_hbm.at[wi_v.at[pl.ds(c * ch, ch)]],
                bufs[c % nbuf], gsem[c % nbuf])

        gh = [None] * nch
        wh = [None] * nch
        for c in range(min(nbuf - 1, nch)):
            gh[c] = start_gather(c)
        for c in range(nch):
            nxt = c + nbuf - 1
            if nxt < nch:
                if nxt >= nbuf:
                    wh[nxt - nbuf].wait()
                gh[nxt] = start_gather(nxt)
            gh[c].wait()
            wh[c] = pltpu.async_copy(
                bufs[c % nbuf],
                wout_hbm.at[pl.ds(base + c * ch, ch)], wsem[c % nbuf])
        for c in range(max(0, nch - nbuf), nch):
            if wh[c] is not None:
                wh[c].wait()

    return k(word_table, word_idx)



def _bilstm(wv3, pt3, pos_emb, ln_scale2, ln_bias2,
            wx_f, wh_f, b_f2, wx_b, wh_b, b_b2):
    seq, bsz, dw = wv3.shape
    npos, dp = pos_emb.shape
    din = dw + dp
    hid = wh_f.shape[0]
    g4 = 4 * hid

    def normed_x(wv, pt, pe_ref, s_ref, b_ref):
        ids = lax.broadcasted_iota(jnp.int32, (bsz, npos), 1)
        onehot = (ids == pt).astype(jnp.float32)
        pw = pe_ref[...]
        hi_mask = jnp.uint32(0xFFFF0000)
        pe1 = lax.bitcast_convert_type(
            lax.bitcast_convert_type(pw, jnp.uint32) & hi_mask, jnp.float32)
        r1 = pw - pe1
        pe2 = lax.bitcast_convert_type(
            lax.bitcast_convert_type(r1, jnp.uint32) & hi_mask, jnp.float32)
        pe3 = r1 - pe2
        pv = (jnp.dot(onehot, pe1, preferred_element_type=jnp.float32)
              + jnp.dot(onehot, pe2, preferred_element_type=jnp.float32)
              + jnp.dot(onehot, pe3, preferred_element_type=jnp.float32))
        x = jnp.concatenate([wv, pv], axis=-1)
        mu = jnp.mean(x, axis=-1, keepdims=True)
        var = jnp.mean((x - mu) * (x - mu), axis=-1, keepdims=True)
        return (x - mu) / jnp.sqrt(var + 1e-5) * s_ref[...] + b_ref[...]

    def cell(x, h, c, wx_ref, wh_ref, b_ref):
        g = (jnp.dot(x, wx_ref[...], preferred_element_type=jnp.float32)
             + jnp.dot(h, wh_ref[...], preferred_element_type=jnp.float32)
             + b_ref[...])
        i = jax.nn.sigmoid(g[:, 0:hid])
        f = jax.nn.sigmoid(g[:, hid:2 * hid])
        gg = jnp.tanh(g[:, 2 * hid:3 * hid])
        o = jax.nn.sigmoid(g[:, 3 * hid:4 * hid])
        c2 = f * c + i * gg
        h2 = o * jnp.tanh(c2)
        return h2, c2

    def body(wvf_ref, wvb_ref, ptf_ref, ptb_ref, pe_ref, s_ref, lb_ref,
             wxf, whf, bf, wxb, whb, bb,
             hf_ref, hb_ref, hfc, cfc, hbc, cbc):
        t = pl.program_id(0)

        @pl.when(t == 0)
        def _():
            hfc[...] = jnp.zeros_like(hfc)
            cfc[...] = jnp.zeros_like(cfc)
            hbc[...] = jnp.zeros_like(hbc)
            cbc[...] = jnp.zeros_like(cbc)

        xf = normed_x(wvf_ref[0], ptf_ref[0], pe_ref, s_ref, lb_ref)
        h2, c2 = cell(xf, hfc[...], cfc[...], wxf, whf, bf)
        hfc[...] = h2
        cfc[...] = c2
        hf_ref[0] = h2
        xb = normed_x(wvb_ref[0], ptb_ref[0], pe_ref, s_ref, lb_ref)
        h2b, c2b = cell(xb, hbc[...], cbc[...], wxb, whb, bb)
        hbc[...] = h2b
        cbc[...] = c2b
        hb_ref[0] = h2b

    return pl.pallas_call(
        body,
        grid=(seq,),
        in_specs=[
            pl.BlockSpec((1, bsz, dw), lambda t: (t, 0, 0)),
            pl.BlockSpec((1, bsz, dw), lambda t: (seq - 1 - t, 0, 0)),
            pl.BlockSpec((1, bsz, 1), lambda t: (t, 0, 0)),
            pl.BlockSpec((1, bsz, 1), lambda t: (seq - 1 - t, 0, 0)),
            pl.BlockSpec((npos, dp), lambda t: (0, 0)),
            pl.BlockSpec((1, din), lambda t: (0, 0)),
            pl.BlockSpec((1, din), lambda t: (0, 0)),
            pl.BlockSpec((din, g4), lambda t: (0, 0)),
            pl.BlockSpec((hid, g4), lambda t: (0, 0)),
            pl.BlockSpec((1, g4), lambda t: (0, 0)),
            pl.BlockSpec((din, g4), lambda t: (0, 0)),
            pl.BlockSpec((hid, g4), lambda t: (0, 0)),
            pl.BlockSpec((1, g4), lambda t: (0, 0)),
        ],
        out_specs=[
            pl.BlockSpec((1, bsz, hid), lambda t: (t, 0, 0)),
            pl.BlockSpec((1, bsz, hid), lambda t: (seq - 1 - t, 0, 0)),
        ],
        out_shape=[
            jax.ShapeDtypeStruct((seq, bsz, hid), jnp.float32),
            jax.ShapeDtypeStruct((seq, bsz, hid), jnp.float32),
        ],
        scratch_shapes=[
            pltpu.VMEM((bsz, hid), jnp.float32),
            pltpu.VMEM((bsz, hid), jnp.float32),
            pltpu.VMEM((bsz, hid), jnp.float32),
            pltpu.VMEM((bsz, hid), jnp.float32),
        ],
        compiler_params=pltpu.CompilerParams(
            dimension_semantics=("arbitrary",)),
    )(wv3, wv3, pt3, pt3, pos_emb, ln_scale2, ln_bias2,
      wx_f, wh_f, b_f2, wx_b, wh_b, b_b2)



def _head(hf_flat, hb_flat, w1, b1_2, w2, b2_2, labels3, words3, sl2, bsz):
    n, hid = hf_flat.shape
    dctx = 2 * hid
    dhid = w1.shape[1]
    nlab = w2.shape[1]
    tile = 2048
    nb = n // tile

    def body(hf_ref, hb_ref, w1_ref, b1_ref, w2_ref, b2_ref, lab_ref, wrd_ref,
             sl_ref, logits_ref, pred_ref, loss_ref, tc_ref, cc_ref):
        step = pl.program_id(0)

        ctx = jnp.concatenate([hf_ref[...], hb_ref[...]], axis=-1)
        h = (jnp.dot(ctx, w1_ref[...],
                     preferred_element_type=jnp.float32) + b1_ref[...])
        h = jnp.where(h > 0, h, 0.1 * h)
        logits = (jnp.dot(h, w2_ref[...],
                          preferred_element_type=jnp.float32) + b2_ref[...])
        logits_ref[...] = logits

        m = jnp.max(logits, axis=-1, keepdims=True)
        e = jnp.exp(logits - m)
        lse = jnp.log(jnp.sum(e, axis=-1, keepdims=True)) + m
        logp = logits - lse

        lab = lab_ref[0]
        wrd = wrd_ref[0]
        mask = wrd > 0

        ids = lax.broadcasted_iota(jnp.int32, (tile, nlab), 1)
        onehot = ids == lab
        nll = -jnp.sum(jnp.where(onehot, logp, 0.0), axis=-1,
                       keepdims=True)
        part = (jnp.sum(nll * mask.astype(jnp.float32)) / bsz).reshape(1, 1)

        amax = jnp.max(logits, axis=-1, keepdims=True)
        cand = jnp.where(logits == amax, ids, nlab)
        pred = jnp.min(cand, axis=-1, keepdims=True)
        pred_ref[0] = pred

        correct = jnp.sum(((lab == pred) & mask).astype(jnp.int32)).reshape(1, 1)

        @pl.when(step == 0)
        def _():
            loss_ref[...] = jnp.zeros_like(loss_ref)
            cc_ref[...] = jnp.zeros_like(cc_ref)
            tc_ref[...] = jnp.sum(sl_ref[...]).reshape(1, 1)

        loss_ref[...] += part
        cc_ref[...] += correct

    return pl.pallas_call(
        body,
        grid=(nb,),
        in_specs=[
            pl.BlockSpec((tile, hid), lambda i: (i, 0)),
            pl.BlockSpec((tile, hid), lambda i: (i, 0)),
            pl.BlockSpec((dctx, dhid), lambda i: (0, 0)),
            pl.BlockSpec((1, dhid), lambda i: (0, 0)),
            pl.BlockSpec((dhid, nlab), lambda i: (0, 0)),
            pl.BlockSpec((1, nlab), lambda i: (0, 0)),
            pl.BlockSpec((1, tile, 1), lambda i: (i, 0, 0)),
            pl.BlockSpec((1, tile, 1), lambda i: (i, 0, 0)),
            pl.BlockSpec((1, bsz), lambda i: (0, 0)),
        ],
        out_specs=[
            pl.BlockSpec((tile, nlab), lambda i: (i, 0)),
            pl.BlockSpec((1, tile, 1), lambda i: (i, 0, 0)),
            pl.BlockSpec((1, 1), lambda i: (0, 0)),
            pl.BlockSpec((1, 1), lambda i: (0, 0)),
            pl.BlockSpec((1, 1), lambda i: (0, 0)),
        ],
        out_shape=[
            jax.ShapeDtypeStruct((n, nlab), jnp.float32),
            jax.ShapeDtypeStruct((nb, tile, 1), jnp.int32),
            jax.ShapeDtypeStruct((1, 1), jnp.float32),
            jax.ShapeDtypeStruct((1, 1), jnp.int32),
            jax.ShapeDtypeStruct((1, 1), jnp.int32),
        ],
    )(hf_flat, hb_flat, w1, b1_2, w2, b2_2, labels3, words3, sl2)



def kernel(words, postags, labels, sent_lengths, word_emb, pos_emb, ln_scale,
           ln_bias, Wx_f, Wh_f, b_f, Wx_b, Wh_b, b_b, W1, b1, W2, b2):
    bsz, seq = words.shape
    n = bsz * seq
    tile = 2048
    nb = n // tile

    words_flat = words.T.reshape(n).astype(jnp.int32)
    word_vecs = _sc_gather(word_emb, words_flat)

    wv3 = word_vecs.reshape(seq, bsz, -1)
    pt3 = postags.T.reshape(seq, bsz, 1).astype(jnp.int32)
    hf, hb = _bilstm(wv3, pt3, pos_emb,
                     ln_scale.reshape(1, -1), ln_bias.reshape(1, -1),
                     Wx_f, Wh_f, b_f.reshape(1, -1),
                     Wx_b, Wh_b, b_b.reshape(1, -1))

    labels3 = labels.T.reshape(nb, tile, 1).astype(jnp.int32)
    words3 = words_flat.reshape(nb, tile, 1)
    logits_flat, pred3, loss2, tc2, cc2 = _head(
        hf.reshape(n, -1), hb.reshape(n, -1),
        W1, b1.reshape(1, -1), W2, b2.reshape(1, -1),
        labels3, words3, sent_lengths.reshape(1, bsz).astype(jnp.int32), bsz)

    ctx = jnp.concatenate([hf, hb], axis=-1).swapaxes(0, 1)
    labels_pred = pred3.reshape(seq, bsz).T
    logits_3d = logits_flat.reshape(seq, bsz, -1).swapaxes(0, 1)
    loss = loss2[0, 0]
    total_count = tc2[0, 0]
    correct_count = cc2[0, 0]
    return (labels_pred, ctx, loss, logits_3d, total_count, correct_count)

# --- scband reference (transcript-rebuilt; emitter-appended) ---
"""Pipeline reference for scband-tagger-network-85074712199278 (READ-ONLY COPY).

The authoritative reference and input builder live on the scoring server;
editing this copy changes nothing except your own understanding.
"""

import jax, jax.numpy as jnp
import numpy as np

VOCAB = 100000
N_POS = 64
N_LABELS = 48
DIM_WORD = 128
DIM_POS = 32
D_IN = DIM_WORD + DIM_POS
HIDDEN = 128
D_CTX = 2 * HIDDEN
D_HID = 128
B = 1024
L = 50


def setup_inputs(seed: int = 0) -> dict:
    key = jax.random.key(seed)
    ks = jax.random.split(key, 20)
    s = 0.05
    inp = {}
    inp['words'] = jax.random.randint(ks[0], (B, L), 0, VOCAB)
    inp['postags'] = jax.random.randint(ks[1], (B, L), 0, N_POS)
    inp['labels'] = jax.random.randint(ks[2], (B, L), 0, N_LABELS)
    inp['sent_lengths'] = jax.random.randint(ks[3], (B,), 1, L + 1)
    inp['word_emb'] = jax.random.normal(ks[4], (VOCAB, DIM_WORD), dtype=jnp.float32) * s
    inp['pos_emb'] = jax.random.normal(ks[5], (N_POS, DIM_POS), dtype=jnp.float32) * s
    inp['ln_scale'] = jnp.ones((D_IN,), dtype=jnp.float32)
    inp['ln_bias'] = jnp.zeros((D_IN,), dtype=jnp.float32)
    inp['Wx_f'] = jax.random.normal(ks[6], (D_IN, 4 * HIDDEN), dtype=jnp.float32) * s
    inp['Wh_f'] = jax.random.normal(ks[7], (HIDDEN, 4 * HIDDEN), dtype=jnp.float32) * s
    inp['b_f'] = jnp.zeros((4 * HIDDEN,), dtype=jnp.float32)
    inp['Wx_b'] = jax.random.normal(ks[8], (D_IN, 4 * HIDDEN), dtype=jnp.float32) * s
    inp['Wh_b'] = jax.random.normal(ks[9], (HIDDEN, 4 * HIDDEN), dtype=jnp.float32) * s
    inp['b_b'] = jnp.zeros((4 * HIDDEN,), dtype=jnp.float32)
    inp['W1'] = jax.random.normal(ks[10], (D_CTX, D_HID), dtype=jnp.float32) * s
    inp['b1'] = jnp.zeros((D_HID,), dtype=jnp.float32)
    inp['W2'] = jax.random.normal(ks[11], (D_HID, N_LABELS), dtype=jnp.float32) * s
    inp['b2'] = jnp.zeros((N_LABELS,), dtype=jnp.float32)
    return inp


def _lstm(x, Wx, Wh, b, reverse):
    # x: [B, L, D]
    xs = jnp.swapaxes(x, 0, 1)  # [L, B, D]
    H = Wh.shape[0]
    bsz = x.shape[0]

    def step(carry, xt):
        h, c = carry
        g = xt @ Wx + h @ Wh + b
        i, f, gg, o = jnp.split(g, 4, axis=-1)
        i = jax.nn.sigmoid(i)
        f = jax.nn.sigmoid(f)
        gg = jnp.tanh(gg)
        o = jax.nn.sigmoid(o)
        c = f * c + i * gg
        h = o * jnp.tanh(c)
        return (h, c), h

    init = (jnp.zeros((bsz, H), dtype=x.dtype), jnp.zeros((bsz, H), dtype=x.dtype))
    _, hs = jax.lax.scan(step, init, xs, reverse=reverse)
    return jnp.swapaxes(hs, 0, 1)  # [B, L, H]


def reference(words, postags, labels, sent_lengths, word_emb, pos_emb, ln_scale, ln_bias,
              Wx_f, Wh_f, b_f, Wx_b, Wh_b, b_b, W1, b1, W2, b2):
    # embedding lookups (gather)
    word_embeded = jnp.take(word_emb, words, axis=0)
    pos_embeded = jnp.take(pos_emb, postags, axis=0)
    total_input = jnp.concatenate([word_embeded, pos_embeded], axis=-1)
    # input layer norm
    mu = total_input.mean(-1, keepdims=True)
    var = total_input.var(-1, keepdims=True)
    total_input = (total_input - mu) / jnp.sqrt(var + 1e-5) * ln_scale + ln_bias
    # contextual BiLSTM
    h_fwd = _lstm(total_input, Wx_f, Wh_f, b_f, reverse=False)
    h_bwd = _lstm(total_input, Wx_b, Wh_b, b_b, reverse=True)
    contextual_output = jnp.concatenate([h_fwd, h_bwd], axis=-1)
    # projection MLP with LeakyReLU(0.1)
    flat = contextual_output.reshape(B * L, D_CTX)
    h = flat @ W1 + b1
    h = jnp.where(h > 0, h, 0.1 * h)
    logits_flat = h @ W2 + b2
    logits_3d = logits_flat.reshape(B, L, N_LABELS)
    # masked cross-entropy loss (no CRF)
    mask_2d = words > 0
    mask_1d = mask_2d.reshape(B * L)
    logp = jax.nn.log_softmax(logits_flat, axis=-1)
    flat_labels = labels.reshape(B * L)
    nll = -jnp.take_along_axis(logp, flat_labels[:, None], axis=1)[:, 0]
    loss = jnp.sum(nll * mask_1d.astype(nll.dtype)) / B
    # predictions and counts
    labels_pred = jnp.argmax(logits_flat, axis=-1).reshape(B, L)
    total_count = sent_lengths.sum()
    correct_count = jnp.sum(mask_2d & (labels == labels_pred))
    return (labels_pred, contextual_output, loss, logits_3d, total_count, correct_count)

if __name__ == "__main__":
    import jax
    _d = setup_inputs()
    print(jax.jit(kernel)(*tuple(_d.values())))

</pallas_src>

<mosaic_0001>
#map = affine_map<(d0, d1) -> (0, 0)>
#map1 = affine_map<(d0, d1) -> (0)>
module attributes {stable_mosaic.version = 14 : i64} {
  func.func @k(%arg0: i32, %arg1: i32, %arg2: memref<100000x128xf32, #tpu.memory_space<hbm>>, %arg3: memref<51200xi32, #tpu.memory_space<hbm>>, %arg4: memref<51200x128xf32, #tpu.memory_space<hbm>>, %arg5: memref<1600xi32, #tpu.memory_space<vmem>>, %arg6: memref<200x128xf32, #tpu.memory_space<vmem>>, %arg7: memref<200x128xf32, #tpu.memory_space<vmem>>, %arg8: memref<200x128xf32, #tpu.memory_space<vmem>>, %arg9: memref<200x128xf32, #tpu.memory_space<vmem>>, %arg10: memref<!tpu.dma_semaphore, #tpu.memory_space<semaphore_mem>>, %arg11: memref<!tpu.dma_semaphore, #tpu.memory_space<semaphore_mem>>, %arg12: memref<!tpu.dma_semaphore, #tpu.memory_space<semaphore_mem>>, %arg13: memref<!tpu.dma_semaphore, #tpu.memory_space<semaphore_mem>>, %arg14: memref<!tpu.dma_semaphore, #tpu.memory_space<semaphore_mem>>, %arg15: memref<!tpu.dma_semaphore, #tpu.memory_space<semaphore_mem>>, %arg16: memref<!tpu.dma_semaphore, #tpu.memory_space<semaphore_mem>>, %arg17: memref<!tpu.dma_semaphore, #tpu.memory_space<semaphore_mem>>) attributes {dimension_semantics = [#tpu.dimension_semantics<core_parallel>, #tpu.dimension_semantics<subcore_parallel>], iteration_bounds = array<i64: 2, 16>, scalar_prefetch = 0 : i64, scratch_operands = 13 : i64, tpu.core_type = #tpu.core_type<sc_vector_subcore>, window_params = [{transform_indices = #map}, {transform_indices = #map1}, {transform_indices = #map}]} {
    %mul3A = arith.constant 2 : i32
    %mul3A_0 = arith.muli %arg1, %mul3A : i32
    %add3A = arith.addi %mul3A_0, %arg0 : i32
    %mul3A_1 = arith.constant 1600 : i32
    %mul3A_2 = arith.muli %add3A, %mul3A_1 : i32
    "tpu.region"() ({
      %run_scoped3A = tpu.sem_alloc : memref<!tpu.dma_semaphore, #tpu.memory_space<semaphore_mem>>
      %dma_start3A_161 = tpu.memref_slice %arg3[%mul3A_2] : memref<51200xi32, #tpu.memory_space<hbm>> -> memref<1600xi32, #tpu.memory_space<hbm>>
      %dma_start3A_162 = tpu.memref_slice %arg3[%mul3A_2] : memref<51200xi32, #tpu.memory_space<hbm>> -> memref<1600xi32, #tpu.memory_space<hbm>>
      tpu.enqueue_dma source(%dma_start3A_162 : memref<1600xi32, #tpu.memory_space<hbm>>) target(%arg5 : memref<1600xi32, #tpu.memory_space<vmem>>) target_semaphore(%run_scoped3A : memref<!tpu.dma_semaphore, #tpu.memory_space<semaphore_mem>>)
      %dma_wait3A_163 = tpu.memref_slice %arg3[%mul3A_2] : memref<51200xi32, #tpu.memory_space<hbm>> -> memref<1600xi32, #tpu.memory_space<hbm>>
      %dma_wait3A_164 = tpu.memref_slice %arg3[%mul3A_2] : memref<51200xi32, #tpu.memory_space<hbm>> -> memref<1600xi32, #tpu.memory_space<hbm>>
      tpu.wait_dma2 semaphore(%run_scoped3A : memref<!tpu.dma_semaphore, #tpu.memory_space<semaphore_mem>>) src(%dma_wait3A_164 : memref<1600xi32, #tpu.memory_space<hbm>>) dst(%arg5 : memref<1600xi32, #tpu.memory_space<vmem>>)
      tpu.yield
    }) : () -> ()
    %dma_start3A = arith.constant 0 : i32
    %dma_start3A_3 = tpu.memref_slice %arg5[%dma_start3A] : memref<1600xi32, #tpu.memory_space<vmem>> -> memref<200xi32, #tpu.memory_space<vmem>>
    %dma_start3A_4 = arith.constant 0 : i32
    %dma_start3A_5 = arith.constant 0 : i32
    %dma_start3A_6 = tpu.memref_slice %arg2[%dma_start3A_4, %dma_start3A_5] : memref<100000x128xf32, #tpu.memory_space<hbm>> -> memref<100000x128xf32, #tpu.memory_space<hbm>>
    tpu.enqueue_indirect_dma source(%dma_start3A_6 : memref<100000x128xf32, #tpu.memory_space<hbm>>) target(%arg6 : memref<200x128xf32, #tpu.memory_space<vmem>>) offsets(%dma_start3A_3 : memref<200xi32, #tpu.memory_space<vmem>>) semaphore(%arg10 : memref<!tpu.dma_semaphore, #tpu.memory_space<semaphore_mem>>)
    %dma_start3A_7 = arith.constant 200 : i32
    %dma_start3A_8 = tpu.memref_slice %arg5[%dma_start3A_7] : memref<1600xi32, #tpu.memory_space<vmem>> -> memref<200xi32, #tpu.memory_space<vmem>>
    %dma_start3A_9 = arith.constant 0 : i32
    %dma_start3A_10 = arith.constant 0 : i32
    %dma_start3A_11 = tpu.memref_slice %arg2[%dma_start3A_9, %dma_start3A_10] : memref<100000x128xf32, #tpu.memory_space<hbm>> -> memref<100000x128xf32, #tpu.memory_space<hbm>>
    tpu.enqueue_indirect_dma source(%dma_start3A_11 : memref<100000x128xf32, #tpu.memory_space<hbm>>) target(%arg7 : memref<200x128xf32, #tpu.memory_space<vmem>>) offsets(%dma_start3A_8 : memref<200xi32, #tpu.memory_space<vmem>>) semaphore(%arg11 : memref<!tpu.dma_semaphore, #tpu.memory_space<semaphore_mem>>)
    %dma_start3A_12 = arith.constant 400 : i32
    %dma_start3A_13 = tpu.memref_slice %arg5[%dma_start3A_12] : memref<1600xi32, #tpu.memory_space<vmem>> -> memref<200xi32, #tpu.memory_space<vmem>>
    %dma_start3A_14 = arith.constant 0 : i32
    %dma_start3A_15 = arith.constant 0 : i32
    %dma_start3A_16 = tpu.memref_slice %arg2[%dma_start3A_14, %dma_start3A_15] : memref<100000x128xf32, #tpu.memory_space<hbm>> -> memref<100000x128xf32, #tpu.memory_space<hbm>>
    tpu.enqueue_indirect_dma source(%dma_start3A_16 : memref<100000x128xf32, #tpu.memory_space<hbm>>) target(%arg8 : memref<200x128xf32, #tpu.memory_space<vmem>>) offsets(%dma_start3A_13 : memref<200xi32, #tpu.memory_space<vmem>>) semaphore(%arg12 : memref<!tpu.dma_semaphore, #tpu.memory_space<semaphore_mem>>)
    %dma_start3A_17 = arith.constant 600 : i32
    %dma_start3A_18 = tpu.memref_slice %arg5[%dma_start3A_17] : memref<1600xi32, #tpu.memory_space<vmem>> -> memref<200xi32, #tpu.memory_space<vmem>>
    %dma_start3A_19 = arith.constant 0 : i32
    %dma_start3A_20 = arith.constant 0 : i32
    %dma_start3A_21 = tpu.memref_slice %arg2[%dma_start3A_19, %dma_start3A_20] : memref<100000x128xf32, #tpu.memory_space<hbm>> -> memref<100000x128xf32, #tpu.memory_space<hbm>>
    tpu.enqueue_indirect_dma source(%dma_start3A_21 : memref<100000x128xf32, #tpu.memory_space<hbm>>) target(%arg9 : memref<200x128xf32, #tpu.memory_space<vmem>>) offsets(%dma_start3A_18 : memref<200xi32, #tpu.memory_space<vmem>>) semaphore(%arg13 : memref<!tpu.dma_semaphore, #tpu.memory_space<semaphore_mem>>)
    %dma_wait3A = arith.constant 0 : i32
    %dma_wait3A_22 = tpu.memref_slice %arg5[%dma_wait3A] : memref<1600xi32, #tpu.memory_space<vmem>> -> memref<200xi32, #tpu.memory_space<vmem>>
    %dma_wait3A_23 = arith.constant 0 : i32
    %dma_wait3A_24 = arith.constant 0 : i32
    %dma_wait3A_25 = tpu.memref_slice %arg2[%dma_wait3A_23, %dma_wait3A_24] : memref<100000x128xf32, #tpu.memory_space<hbm>> -> memref<100000x128xf32, #tpu.memory_space<hbm>>
    tpu.wait_indirect_dma semaphore(%arg10 : memref<!tpu.dma_semaphore, #tpu.memory_space<semaphore_mem>>) src(%dma_wait3A_25 : memref<100000x128xf32, #tpu.memory_space<hbm>>) dst(%arg6 : memref<200x128xf32, #tpu.memory_space<vmem>>)
    %add3A_26 = arith.constant 0 : i32
    %add3A_27 = arith.addi %mul3A_2, %add3A_26 : i32
    %dma_start3A_28 = arith.constant 0 : i32
    %dma_start3A_29 = tpu.memref_slice %arg4[%add3A_27, %dma_start3A_28] : memref<51200x128xf32, #tpu.memory_space<hbm>> -> memref<200x128xf32, #tpu.memory_space<hbm>>
    %dma_start3A_30 = arith.constant 0 : i32
    %dma_start3A_31 = tpu.memref_slice %arg4[%add3A_27, %dma_start3A_30] : memref<51200x128xf32, #tpu.memory_space<hbm>> -> memref<200x128xf32, #tpu.memory_space<hbm>>
    tpu.enqueue_dma source(%arg6 : memref<200x128xf32, #tpu.memory_space<vmem>>) target(%dma_start3A_31 : memref<200x128xf32, #tpu.memory_space<hbm>>) target_semaphore(%arg14 : memref<!tpu.dma_semaphore, #tpu.memory_space<semaphore_mem>>)
    %dma_wait3A_32 = arith.constant 0 : i32
    %dma_wait3A_33 = tpu.memref_slice %arg4[%add3A_27, %dma_wait3A_32] : memref<51200x128xf32, #tpu.memory_space<hbm>> -> memref<200x128xf32, #tpu.memory_space<hbm>>
    %dma_wait3A_34 = arith.constant 0 : i32
    %dma_wait3A_35 = tpu.memref_slice %arg4[%add3A_27, %dma_wait3A_34] : memref<51200x128xf32, #tpu.memory_space<hbm>> -> memref<200x128xf32, #tpu.memory_space<hbm>>
    tpu.wait_dma2 semaphore(%arg14 : memref<!tpu.dma_semaphore, #tpu.memory_space<semaphore_mem>>) src(%arg6 : memref<200x128xf32, #tpu.memory_space<vmem>>) dst(%dma_wait3A_35 : memref<200x128xf32, #tpu.memory_space<hbm>>)
    %dma_start3A_36 = arith.constant 800 : i32
    %dma_start3A_37 = tpu.memref_slice %arg5[%dma_start3A_36] : memref<1600xi32, #tpu.memory_space<vmem>> -> memref<200xi32, #tpu.memory_space<vmem>>
    %dma_start3A_38 = arith.constant 0 : i32
    %dma_start3A_39 = arith.constant 0 : i32
    %dma_start3A_40 = tpu.memref_slice %arg2[%dma_start3A_38, %dma_start3A_39] : memref<100000x128xf32, #tpu.memory_space<hbm>> -> memref<100000x128xf32, #tpu.memory_space<hbm>>
    tpu.enqueue_indirect_dma source(%dma_start3A_40 : memref<100000x128xf32, #tpu.memory_space<hbm>>) target(%arg6 : memref<200x128xf32, #tpu.memory_space<vmem>>) offsets(%dma_start3A_37 : memref<200xi32, #tpu.memory_space<vmem>>) semaphore(%arg10 : memref<!tpu.dma_semaphore, #tpu.memory_space<semaphore_mem>>)
    %dma_wait3A_41 = arith.constant 200 : i32
    %dma_wait3A_42 = tpu.memref_slice %arg5[%dma_wait3A_41] : memref<1600xi32, #tpu.memory_space<vmem>> -> memref<200xi32, #tpu.memory_space<vmem>>
    %dma_wait3A_43 = arith.constant 0 : i32
    %dma_wait3A_44 = arith.constant 0 : i32
    %dma_wait3A_45 = tpu.memref_slice %arg2[%dma_wait3A_43, %dma_wait3A_44] : memref<100000x128xf32, #tpu.memory_space<hbm>> -> memref<100000x128xf32, #tpu.memory_space<hbm>>
    tpu.wait_indirect_dma semaphore(%arg11 : memref<!tpu.dma_semaphore, #tpu.memory_space<semaphore_mem>>) src(%dma_wait3A_45 : memref<100000x128xf32, #tpu.memory_space<hbm>>) dst(%arg7 : memref<200x128xf32, #tpu.memory_space<vmem>>)
    %add3A_46 = arith.constant 200 : i32
    %add3A_47 = arith.addi %mul3A_2, %add3A_46 : i32
    %dma_start3A_48 = arith.constant 0 : i32
    %dma_start3A_49 = tpu.memref_slice %arg4[%add3A_47, %dma_start3A_48] : memref<51200x128xf32, #tpu.memory_space<hbm>> -> memref<200x128xf32, #tpu.memory_space<hbm>>
    %dma_start3A_50 = arith.constant 0 : i32
    %dma_start3A_51 = tpu.memref_slice %arg4[%add3A_47, %dma_start3A_50] : memref<51200x128xf32, #tpu.memory_space<hbm>> -> memref<200x128xf32, #tpu.memory_space<hbm>>
    tpu.enqueue_dma source(%arg7 : memref<200x128xf32, #tpu.memory_space<vmem>>) target(%dma_start3A_51 : memref<200x128xf32, #tpu.memory_space<hbm>>) target_semaphore(%arg15 : memref<!tpu.dma_semaphore, #tpu.memory_space<semaphore_mem>>)
    %dma_wait3A_52 = arith.constant 0 : i32
    %dma_wait3A_53 = tpu.memref_slice %arg4[%add3A_47, %dma_wait3A_52] : memref<51200x128xf32, #tpu.memory_space<hbm>> -> memref<200x128xf32, #tpu.memory_space<hbm>>
    %dma_wait3A_54 = arith.constant 0 : i32
    %dma_wait3A_55 = tpu.memref_slice %arg4[%add3A_47, %dma_wait3A_54] : memref<51200x128xf32, #tpu.memory_space<hbm>> -> memref<200x128xf32, #tpu.memory_space<hbm>>
    tpu.wait_dma2 semaphore(%arg15 : memref<!tpu.dma_semaphore, #tpu.memory_space<semaphore_mem>>) src(%arg7 : memref<200x128xf32, #tpu.memory_space<vmem>>) dst(%dma_wait3A_55 : memref<200x128xf32, #tpu.memory_space<hbm>>)
    %dma_start3A_56 = arith.constant 1000 : i32
    %dma_start3A_57 = tpu.memref_slice %arg5[%dma_start3A_56] : memref<1600xi32, #tpu.memory_space<vmem>> -> memref<200xi32, #tpu.memory_space<vmem>>
    %dma_start3A_58 = arith.constant 0 : i32
    %dma_start3A_59 = arith.constant 0 : i32
    %dma_start3A_60 = tpu.memref_slice %arg2[%dma_start3A_58, %dma_start3A_59] : memref<100000x128xf32, #tpu.memory_space<hbm>> -> memref<100000x128xf32, #tpu.memory_space<hbm>>
    tpu.enqueue_indirect_dma source(%dma_start3A_60 : memref<100000x128xf32, #tpu.memory_space<hbm>>) target(%arg7 : memref<200x128xf32, #tpu.memory_space<vmem>>) offsets(%dma_start3A_57 : memref<200xi32, #tpu.memory_space<vmem>>) semaphore(%arg11 : memref<!tpu.dma_semaphore, #tpu.memory_space<semaphore_mem>>)
    %dma_wait3A_61 = arith.constant 400 : i32
    %dma_wait3A_62 = tpu.memref_slice %arg5[%dma_wait3A_61] : memref<1600xi32, #tpu.memory_space<vmem>> -> memref<200xi32, #tpu.memory_space<vmem>>
    %dma_wait3A_63 = arith.constant 0 : i32
    %dma_wait3A_64 = arith.constant 0 : i32
    %dma_wait3A_65 = tpu.memref_slice %arg2[%dma_wait3A_63, %dma_wait3A_64] : memref<100000x128xf32, #tpu.memory_space<hbm>> -> memref<100000x128xf32, #tpu.memory_space<hbm>>
    tpu.wait_indirect_dma semaphore(%arg12 : memref<!tpu.dma_semaphore, #tpu.memory_space<semaphore_mem>>) src(%dma_wait3A_65 : memref<100000x128xf32, #tpu.memory_space<hbm>>) dst(%arg8 : memref<200x128xf32, #tpu.memory_space<vmem>>)
    %add3A_66 = arith.constant 400 : i32
    %add3A_67 = arith.addi %mul3A_2, %add3A_66 : i32
    %dma_start3A_68 = arith.constant 0 : i32
    %dma_start3A_69 = tpu.memref_slice %arg4[%add3A_67, %dma_start3A_68] : memref<51200x128xf32, #tpu.memory_space<hbm>> -> memref<200x128xf32, #tpu.memory_space<hbm>>
    %dma_start3A_70 = arith.constant 0 : i32
    %dma_start3A_71 = tpu.memref_slice %arg4[%add3A_67, %dma_start3A_70] : memref<51200x128xf32, #tpu.memory_space<hbm>> -> memref<200x128xf32, #tpu.memory_space<hbm>>
    tpu.enqueue_dma source(%arg8 : memref<200x128xf32, #tpu.memory_space<vmem>>) target(%dma_start3A_71 : memref<200x128xf32, #tpu.memory_space<hbm>>) target_semaphore(%arg16 : memref<!tpu.dma_semaphore, #tpu.memory_space<semaphore_mem>>)
    %dma_wait3A_72 = arith.constant 0 : i32
    %dma_wait3A_73 = tpu.memref_slice %arg4[%add3A_67, %dma_wait3A_72] : memref<51200x128xf32, #tpu.memory_space<hbm>> -> memref<200x128xf32, #tpu.memory_space<hbm>>
    %dma_wait3A_74 = arith.constant 0 : i32
    %dma_wait3A_75 = tpu.memref_slice %arg4[%add3A_67, %dma_wait3A_74] : memref<51200x128xf32, #tpu.memory_space<hbm>> -> memref<200x128xf32, #tpu.memory_space<hbm>>
    tpu.wait_dma2 semaphore(%arg16 : memref<!tpu.dma_semaphore, #tpu.memory_space<semaphore_mem>>) src(%arg8 : memref<200x128xf32, #tpu.memory_space<vmem>>) dst(%dma_wait3A_75 : memref<200x128xf32, #tpu.memory_space<hbm>>)
    %dma_start3A_76 = arith.constant 1200 : i32
    %dma_start3A_77 = tpu.memref_slice %arg5[%dma_start3A_76] : memref<1600xi32, #tpu.memory_space<vmem>> -> memref<200xi32, #tpu.memory_space<vmem>>
    %dma_start3A_78 = arith.constant 0 : i32
    %dma_start3A_79 = arith.constant 0 : i32
    %dma_start3A_80 = tpu.memref_slice %arg2[%dma_start3A_78, %dma_start3A_79] : memref<100000x128xf32, #tpu.memory_space<hbm>> -> memref<100000x128xf32, #tpu.memory_space<hbm>>
    tpu.enqueue_indirect_dma source(%dma_start3A_80 : memref<100000x128xf32, #tpu.memory_space<hbm>>) target(%arg8 : memref<200x128xf32, #tpu.memory_space<vmem>>) offsets(%dma_start3A_77 : memref<200xi32, #tpu.memory_space<vmem>>) semaphore(%arg12 : memref<!tpu.dma_semaphore, #tpu.memory_space<semaphore_mem>>)
    %dma_wait3A_81 = arith.constant 600 : i32
    %dma_wait3A_82 = tpu.memref_slice %arg5[%dma_wait3A_81] : memref<1600xi32, #tpu.memory_space<vmem>> -> memref<200xi32, #tpu.memory_space<vmem>>
    %dma_wait3A_83 = arith.constant 0 : i32
    %dma_wait3A_84 = arith.constant 0 : i32
    %dma_wait3A_85 = tpu.memref_slice %arg2[%dma_wait3A_83, %dma_wait3A_84] : memref<100000x128xf32, #tpu.memory_space<hbm>> -> memref<100000x128xf32, #tpu.memory_space<hbm>>
    tpu.wait_indirect_dma semaphore(%arg13 : memref<!tpu.dma_semaphore, #tpu.memory_space<semaphore_mem>>) src(%dma_wait3A_85 : memref<100000x128xf32, #tpu.memory_space<hbm>>) dst(%arg9 : memref<200x128xf32, #tpu.memory_space<vmem>>)
    %add3A_86 = arith.constant 600 : i32
    %add3A_87 = arith.addi %mul3A_2, %add3A_86 : i32
    %dma_start3A_88 = arith.constant 0 : i32
    %dma_start3A_89 = tpu.memref_slice %arg4[%add3A_87, %dma_start3A_88] : memref<51200x128xf32, #tpu.memory_space<hbm>> -> memref<200x128xf32, #tpu.memory_space<hbm>>
    %dma_start3A_90 = arith.constant 0 : i32
    %dma_start3A_91 = tpu.memref_slice %arg4[%add3A_87, %dma_start3A_90] : memref<51200x128xf32, #tpu.memory_space<hbm>> -> memref<200x128xf32, #tpu.memory_space<hbm>>
    tpu.enqueue_dma source(%arg9 : memref<200x128xf32, #tpu.memory_space<vmem>>) target(%dma_start3A_91 : memref<200x128xf32, #tpu.memory_space<hbm>>) target_semaphore(%arg17 : memref<!tpu.dma_semaphore, #tpu.memory_space<semaphore_mem>>)
    %dma_wait3A_92 = arith.constant 0 : i32
    %dma_wait3A_93 = tpu.memref_slice %arg4[%add3A_87, %dma_wait3A_92] : memref<51200x128xf32, #tpu.memory_space<hbm>> -> memref<200x128xf32, #tpu.memory_space<hbm>>
    %dma_wait3A_94 = arith.constant 0 : i32
    %dma_wait3A_95 = tpu.memref_slice %arg4[%add3A_87, %dma_wait3A_94] : memref<51200x128xf32, #tpu.memory_space<hbm>> -> memref<200x128xf32, #tpu.memory_space<hbm>>
    tpu.wait_dma2 semaphore(%arg17 : memref<!tpu.dma_semaphore, #tpu.memory_space<semaphore_mem>>) src(%arg9 : memref<200x128xf32, #tpu.memory_space<vmem>>) dst(%dma_wait3A_95 : memref<200x128xf32, #tpu.memory_space<hbm>>)
    %dma_start3A_96 = arith.constant 1400 : i32
    %dma_start3A_97 = tpu.memref_slice %arg5[%dma_start3A_96] : memref<1600xi32, #tpu.memory_space<vmem>> -> memref<200xi32, #tpu.memory_space<vmem>>
    %dma_start3A_98 = arith.constant 0 : i32
    %dma_start3A_99 = arith.constant 0 : i32
    %dma_start3A_100 = tpu.memref_slice %arg2[%dma_start3A_98, %dma_start3A_99] : memref<100000x128xf32, #tpu.memory_space<hbm>> -> memref<100000x128xf32, #tpu.memory_space<hbm>>
    tpu.enqueue_indirect_dma source(%dma_start3A_100 : memref<100000x128xf32, #tpu.memory_space<hbm>>) target(%arg9 : memref<200x128xf32, #tpu.memory_space<vmem>>) offsets(%dma_start3A_97 : memref<200xi32, #tpu.memory_space<vmem>>) semaphore(%arg13 : memref<!tpu.dma_semaphore, #tpu.memory_space<semaphore_mem>>)
    %dma_wait3A_101 = arith.constant 800 : i32
    %dma_wait3A_102 = tpu.memref_slice %arg5[%dma_wait3A_101] : memref<1600xi32, #tpu.memory_space<vmem>> -> memref<200xi32, #tpu.memory_space<vmem>>
    %dma_wait3A_103 = arith.constant 0 : i32
    %dma_wait3A_104 = arith.constant 0 : i32
    %dma_wait3A_105 = tpu.memref_slice %arg2[%dma_wait3A_103, %dma_wait3A_104] : memref<100000x128xf32, #tpu.memory_space<hbm>> -> memref<100000x128xf32, #tpu.memory_space<hbm>>
    tpu.wait_indirect_dma semaphore(%arg10 : memref<!tpu.dma_semaphore, #tpu.memory_space<semaphore_mem>>) src(%dma_wait3A_105 : memref<100000x128xf32, #tpu.memory_space<hbm>>) dst(%arg6 : memref<200x128xf32, #tpu.memory_space<vmem>>)
    %add3A_106 = arith.constant 800 : i32
    %add3A_107 = arith.addi %mul3A_2, %add3A_106 : i32
    %dma_start3A_108 = arith.constant 0 : i32
    %dma_start3A_109 = tpu.memref_slice %arg4[%add3A_107, %dma_start3A_108] : memref<51200x128xf32, #tpu.memory_space<hbm>> -> memref<200x128xf32, #tpu.memory_space<hbm>>
    %dma_start3A_110 = arith.constant 0 : i32
    %dma_start3A_111 = tpu.memref_slice %arg4[%add3A_107, %dma_start3A_110] : memref<51200x128xf32, #tpu.memory_space<hbm>> -> memref<200x128xf32, #tpu.memory_space<hbm>>
    tpu.enqueue_dma source(%arg6 : memref<200x128xf32, #tpu.memory_space<vmem>>) target(%dma_start3A_111 : memref<200x128xf32, #tpu.memory_space<hbm>>) target_semaphore(%arg14 : memref<!tpu.dma_semaphore, #tpu.memory_space<semaphore_mem>>)
    %dma_wait3A_112 = arith.constant 1000 : i32
    %dma_wait3A_113 = tpu.memref_slice %arg5[%dma_wait3A_112] : memref<1600xi32, #tpu.memory_space<vmem>> -> memref<200xi32, #tpu.memory_space<vmem>>
    %dma_wait3A_114 = arith.constant 0 : i32
    %dma_wait3A_115 = arith.constant 0 : i32
    %dma_wait3A_116 = tpu.memref_slice %arg2[%dma_wait3A_114, %dma_wait3A_115] : memref<100000x128xf32, #tpu.memory_space<hbm>> -> memref<100000x128xf32, #tpu.memory_space<hbm>>
    tpu.wait_indirect_dma semaphore(%arg11 : memref<!tpu.dma_semaphore, #tpu.memory_space<semaphore_mem>>) src(%dma_wait3A_116 : memref<100000x128xf32, #tpu.memory_space<hbm>>) dst(%arg7 : memref<200x128xf32, #tpu.memory_space<vmem>>)
    %add3A_117 = arith.constant 1000 : i32
    %add3A_118 = arith.addi %mul3A_2, %add3A_117 : i32
    %dma_start3A_119 = arith.constant 0 : i32
    %dma_start3A_120 = tpu.memref_slice %arg4[%add3A_118, %dma_start3A_119] : memref<51200x128xf32, #tpu.memory_space<hbm>> -> memref<200x128xf32, #tpu.memory_space<hbm>>
    %dma_start3A_121 = arith.constant 0 : i32
    %dma_start3A_122 = tpu.memref_slice %arg4[%add3A_118, %dma_start3A_121] : memref<51200x128xf32, #tpu.memory_space<hbm>> -> memref<200x128xf32, #tpu.memory_space<hbm>>
    tpu.enqueue_dma source(%arg7 : memref<200x128xf32, #tpu.memory_space<vmem>>) target(%dma_start3A_122 : memref<200x128xf32, #tpu.memory_space<hbm>>) target_semaphore(%arg15 : memref<!tpu.dma_semaphore, #tpu.memory_space<semaphore_mem>>)
    %dma_wait3A_123 = arith.constant 1200 : i32
    %dma_wait3A_124 = tpu.memref_slice %arg5[%dma_wait3A_123] : memref<1600xi32, #tpu.memory_space<vmem>> -> memref<200xi32, #tpu.memory_space<vmem>>
    %dma_wait3A_125 = arith.constant 0 : i32
    %dma_wait3A_126 = arith.constant 0 : i32
    %dma_wait3A_127 = tpu.memref_slice %arg2[%dma_wait3A_125, %dma_wait3A_126] : memref<100000x128xf32, #tpu.memory_space<hbm>> -> memref<100000x128xf32, #tpu.memory_space<hbm>>
    tpu.wait_indirect_dma semaphore(%arg12 : memref<!tpu.dma_semaphore, #tpu.memory_space<semaphore_mem>>) src(%dma_wait3A_127 : memref<100000x128xf32, #tpu.memory_space<hbm>>) dst(%arg8 : memref<200x128xf32, #tpu.memory_space<vmem>>)
    %add3A_128 = arith.constant 1200 : i32
    %add3A_129 = arith.addi %mul3A_2, %add3A_128 : i32
    %dma_start3A_130 = arith.constant 0 : i32
    %dma_start3A_131 = tpu.memref_slice %arg4[%add3A_129, %dma_start3A_130] : memref<51200x128xf32, #tpu.memory_space<hbm>> -> memref<200x128xf32, #tpu.memory_space<hbm>>
    %dma_start3A_132 = arith.constant 0 : i32
    %dma_start3A_133 = tpu.memref_slice %arg4[%add3A_129, %dma_start3A_132] : memref<51200x128xf32, #tpu.memory_space<hbm>> -> memref<200x128xf32, #tpu.memory_space<hbm>>
    tpu.enqueue_dma source(%arg8 : memref<200x128xf32, #tpu.memory_space<vmem>>) target(%dma_start3A_133 : memref<200x128xf32, #tpu.memory_space<hbm>>) target_semaphore(%arg16 : memref<!tpu.dma_semaphore, #tpu.memory_space<semaphore_mem>>)
    %dma_wait3A_134 = arith.constant 1400 : i32
    %dma_wait3A_135 = tpu.memref_slice %arg5[%dma_wait3A_134] : memref<1600xi32, #tpu.memory_space<vmem>> -> memref<200xi32, #tpu.memory_space<vmem>>
    %dma_wait3A_136 = arith.constant 0 : i32
    %dma_wait3A_137 = arith.constant 0 : i32
    %dma_wait3A_138 = tpu.memref_slice %arg2[%dma_wait3A_136, %dma_wait3A_137] : memref<100000x128xf32, #tpu.memory_space<hbm>> -> memref<100000x128xf32, #tpu.memory_space<hbm>>
    tpu.wait_indirect_dma semaphore(%arg13 : memref<!tpu.dma_semaphore, #tpu.memory_space<semaphore_mem>>) src(%dma_wait3A_138 : memref<100000x128xf32, #tpu.memory_space<hbm>>) dst(%arg9 : memref<200x128xf32, #tpu.memory_space<vmem>>)
    %add3A_139 = arith.constant 1400 : i32
    %add3A_140 = arith.addi %mul3A_2, %add3A_139 : i32
    %dma_start3A_141 = arith.constant 0 : i32
    %dma_start3A_142 = tpu.memref_slice %arg4[%add3A_140, %dma_start3A_141] : memref<51200x128xf32, #tpu.memory_space<hbm>> -> memref<200x128xf32, #tpu.memory_space<hbm>>
    %dma_start3A_143 = arith.constant 0 : i32
    %dma_start3A_144 = tpu.memref_slice %arg4[%add3A_140, %dma_start3A_143] : memref<51200x128xf32, #tpu.memory_space<hbm>> -> memref<200x128xf32, #tpu.memory_space<hbm>>
    tpu.enqueue_dma source(%arg9 : memref<200x128xf32, #tpu.memory_space<vmem>>) target(%dma_start3A_144 : memref<200x128xf32, #tpu.memory_space<hbm>>) target_semaphore(%arg17 : memref<!tpu.dma_semaphore, #tpu.memory_space<semaphore_mem>>)
    %dma_wait3A_145 = arith.constant 0 : i32
    %dma_wait3A_146 = tpu.memref_slice %arg4[%add3A_107, %dma_wait3A_145] : memref<51200x128xf32, #tpu.memory_space<hbm>> -> memref<200x128xf32, #tpu.memory_space<hbm>>
    %dma_wait3A_147 = arith.constant 0 : i32
    %dma_wait3A_148 = tpu.memref_slice %arg4[%add3A_107, %dma_wait3A_147] : memref<51200x128xf32, #tpu.memory_space<hbm>> -> memref<200x128xf32, #tpu.memory_space<hbm>>
    tpu.wait_dma2 semaphore(%arg14 : memref<!tpu.dma_semaphore, #tpu.memory_space<semaphore_mem>>) src(%arg6 : memref<200x128xf32, #tpu.memory_space<vmem>>) dst(%dma_wait3A_148 : memref<200x128xf32, #tpu.memory_space<hbm>>)
    %dma_wait3A_149 = arith.constant 0 : i32
    %dma_wait3A_150 = tpu.memref_slice %arg4[%add3A_118, %dma_wait3A_149] : memref<51200x128xf32, #tpu.memory_space<hbm>> -> memref<200x128xf32, #tpu.memory_space<hbm>>
    %dma_wait3A_151 = arith.constant 0 : i32
    %dma_wait3A_152 = tpu.memref_slice %arg4[%add3A_118, %dma_wait3A_151] : memref<51200x128xf32, #tpu.memory_space<hbm>> -> memref<200x128xf32, #tpu.memory_space<hbm>>
    tpu.wait_dma2 semaphore(%arg15 : memref<!tpu.dma_semaphore, #tpu.memory_space<semaphore_mem>>) src(%arg7 : memref<200x128xf32, #tpu.memory_space<vmem>>) dst(%dma_wait3A_152 : memref<200x128xf32, #tpu.memory_space<hbm>>)
    %dma_wait3A_153 = arith.constant 0 : i32
    %dma_wait3A_154 = tpu.memref_slice %arg4[%add3A_129, %dma_wait3A_153] : memref<51200x128xf32, #tpu.memory_space<hbm>> -> memref<200x128xf32, #tpu.memory_space<hbm>>
    %dma_wait3A_155 = arith.constant 0 : i32
    %dma_wait3A_156 = tpu.memref_slice %arg4[%add3A_129, %dma_wait3A_155] : memref<51200x128xf32, #tpu.memory_space<hbm>> -> memref<200x128xf32, #tpu.memory_space<hbm>>
    tpu.wait_dma2 semaphore(%arg16 : memref<!tpu.dma_semaphore, #tpu.memory_space<semaphore_mem>>) src(%arg8 : memref<200x128xf32, #tpu.memory_space<vmem>>) dst(%dma_wait3A_156 : memref<200x128xf32, #tpu.memory_space<hbm>>)
    %dma_wait3A_157 = arith.constant 0 : i32
    %dma_wait3A_158 = tpu.memref_slice %arg4[%add3A_140, %dma_wait3A_157] : memref<51200x128xf32, #tpu.memory_space<hbm>> -> memref<200x128xf32, #tpu.memory_space<hbm>>
    %dma_wait3A_159 = arith.constant 0 : i32
    %dma_wait3A_160 = tpu.memref_slice %arg4[%add3A_140, %dma_wait3A_159] : memref<51200x128xf32, #tpu.memory_space<hbm>> -> memref<200x128xf32, #tpu.memory_space<hbm>>
    tpu.wait_dma2 semaphore(%arg17 : memref<!tpu.dma_semaphore, #tpu.memory_space<semaphore_mem>>) src(%arg9 : memref<200x128xf32, #tpu.memory_space<vmem>>) dst(%dma_wait3A_160 : memref<200x128xf32, #tpu.memory_space<hbm>>)
    return
  }
}

module attributes {stable_mosaic.version = 14 : i64} {
  func.func @body(%arg0: i32, %arg1: memref<1x1024x128xf32, #tpu.memory_space<vmem>>, %arg2: memref<1x1024x128xf32, #tpu.memory_space<vmem>>, %arg3: memref<1x1024x1xi32, #tpu.memory_space<vmem>>, %arg4: memref<1x1024x1xi32, #tpu.memory_space<vmem>>, %arg5: memref<64x32xf32, #tpu.memory_space<vmem>>, %arg6: memref<1x160xf32, #tpu.memory_space<vmem>>, %arg7: memref<1x160xf32, #tpu.memory_space<vmem>>, %arg8: memref<160x512xf32, #tpu.memory_space<vmem>>, %arg9: memref<128x512xf32, #tpu.memory_space<vmem>>, %arg10: memref<1x512xf32, #tpu.memory_space<vmem>>, %arg11: memref<160x512xf32, #tpu.memory_space<vmem>>, %arg12: memref<128x512xf32, #tpu.memory_space<vmem>>, %arg13: memref<1x512xf32, #tpu.memory_space<vmem>>, %arg14: memref<1x1024x128xf32, #tpu.memory_space<vmem>>, %arg15: memref<1x1024x128xf32, #tpu.memory_space<vmem>>, %arg16: memref<1024x128xf32, #tpu.memory_space<vmem>>, %arg17: memref<1024x128xf32, #tpu.memory_space<vmem>>, %arg18: memref<1024x128xf32, #tpu.memory_space<vmem>>, %arg19: memref<1024x128xf32, #tpu.memory_space<vmem>>) attributes {dimension_semantics = [#tpu.dimension_semantics<arbitrary>], iteration_bounds = array<i64: 50>, scalar_prefetch = 0 : i64, scratch_operands = 4 : i64, tpu.core_type = #tpu.core_type<tc>, window_params = [{transform_indices = @transform_0, window_bounds = array<i64: 1, 1024, 128>}, {transform_indices = @transform_1, window_bounds = array<i64: 1, 1024, 128>}, {transform_indices = @transform_2, window_bounds = array<i64: 1, 1024, 1>}, {transform_indices = @transform_3, window_bounds = array<i64: 1, 1024, 1>}, {pipeline_mode = #tpu.pipeline_mode<synchronous>, transform_indices = @transform_4, window_bounds = array<i64: 64, 32>}, {pipeline_mode = #tpu.pipeline_mode<synchronous>, transform_indices = @transform_5, window_bounds = array<i64: 1, 160>}, {pipeline_mode = #tpu.pipeline_mode<synchronous>, transform_indices = @transform_6, window_bounds = array<i64: 1, 160>}, {pipeline_mode = #tpu.pipeline_mode<synchronous>, transform_indices = @transform_7, window_bounds = array<i64: 160, 512>}, {pipeline_mode = #tpu.pipeline_mode<synchronous>, transform_indices = @transform_8, window_bounds = array<i64: 128, 512>}, {pipeline_mode = #tpu.pipeline_mode<synchronous>, transform_indices = @transform_9, window_bounds = array<i64: 1, 512>}, {pipeline_mode = #tpu.pipeline_mode<synchronous>, transform_indices = @transform_10, window_bounds = array<i64: 160, 512>}, {pipeline_mode = #tpu.pipeline_mode<synchronous>, transform_indices = @transform_11, window_bounds = array<i64: 128, 512>}, {pipeline_mode = #tpu.pipeline_mode<synchronous>, transform_indices = @transform_12, window_bounds = array<i64: 1, 512>}, {transform_indices = @transform_13, window_bounds = array<i64: 1, 1024, 128>}, {transform_indices = @transform_14, window_bounds = array<i64: 1, 1024, 128>}]} {
    %eq3A = arith.constant 0 : i32
    %eq3A_0 = arith.cmpi eq, %arg0, %eq3A : i32
    %convert_element_type3A = arith.extui %eq3A_0 : i1 to i32
    %cond3A = arith.constant 0 : i32
    %cond3A_1 = arith.cmpi ne, %convert_element_type3A, %cond3A : i32
    scf.if %cond3A_1 {
      %broadcast_in_dim3A_257 = arith.constant 0.000000e+00 : f32
      %broadcast_in_dim3A_258 = vector.broadcast %broadcast_in_dim3A_257 : f32 to vector<1024x128xf32>
      %swap3A_259 = arith.constant 0 : index
      %swap3A_260 = arith.constant 0 : index
      %swap3A_261 = vector.load %arg16[%swap3A_259, %swap3A_260] : memref<1024x128xf32, #tpu.memory_space<vmem>>, vector<1024x128xf32>
      tpu.vector_store %arg16[%swap3A_259, %swap3A_260], %broadcast_in_dim3A_258 {strides = array<i32>} : memref<1024x128xf32, #tpu.memory_space<vmem>>, vector<1024x128xf32>,
      %broadcast_in_dim3A_262 = arith.constant 0.000000e+00 : f32
      %broadcast_in_dim3A_263 = vector.broadcast %broadcast_in_dim3A_262 : f32 to vector<1024x128xf32>
      %swap3A_264 = arith.constant 0 : index
      %swap3A_265 = arith.constant 0 : index
      %swap3A_266 = vector.load %arg17[%swap3A_264, %swap3A_265] : memref<1024x128xf32, #tpu.memory_space<vmem>>, vector<1024x128xf32>
      tpu.vector_store %arg17[%swap3A_264, %swap3A_265], %broadcast_in_dim3A_263 {strides = array<i32>} : memref<1024x128xf32, #tpu.memory_space<vmem>>, vector<1024x128xf32>,
      %broadcast_in_dim3A_267 = arith.constant 0.000000e+00 : f32
      %broadcast_in_dim3A_268 = vector.broadcast %broadcast_in_dim3A_267 : f32 to vector<1024x128xf32>
      %swap3A_269 = arith.constant 0 : index
      %swap3A_270 = arith.constant 0 : index
      %swap3A_271 = vector.load %arg18[%swap3A_269, %swap3A_270] : memref<1024x128xf32, #tpu.memory_space<vmem>>, vector<1024x128xf32>
      tpu.vector_store %arg18[%swap3A_269, %swap3A_270], %broadcast_in_dim3A_268 {strides = array<i32>} : memref<1024x128xf32, #tpu.memory_space<vmem>>, vector<1024x128xf32>,
      %broadcast_in_dim3A_272 = arith.constant 0.000000e+00 : f32
      %broadcast_in_dim3A_273 = vector.broadcast %broadcast_in_dim3A_272 : f32 to vector<1024x128xf32>
      %swap3A_274 = arith.constant 0 : index
      %swap3A_275 = arith.constant 0 : index
      %swap3A_276 = vector.load %arg19[%swap3A_274, %swap3A_275] : memref<1024x128xf32, #tpu.memory_space<vmem>>, vector<1024x128xf32>
      tpu.vector_store %arg19[%swap3A_274, %swap3A_275], %broadcast_in_dim3A_273 {strides = array<i32>} : memref<1024x128xf32, #tpu.memory_space<vmem>>, vector<1024x128xf32>,
    } else {
    }
    %get3A = arith.constant 0 : index
    %get3A_2 = arith.constant 0 : index
    %get3A_3 = arith.constant 0 : index
    %get3A_4 = vector.load %arg1[%get3A, %get3A_2, %get3A_3] : memref<1x1024x128xf32, #tpu.memory_space<vmem>>, vector<1x1024x128xf32>
    %get3A_5 = vector.shape_cast %get3A_4 : vector<1x1024x128xf32> to vector<1024x128xf32>
    %get3A_6 = arith.constant 0 : index
    %get3A_7 = arith.constant 0 : index
    %get3A_8 = arith.constant 0 : index
    %get3A_9 = vector.load %arg3[%get3A_6, %get3A_7, %get3A_8] : memref<1x1024x1xi32, #tpu.memory_space<vmem>>, vector<1x1024x1xi32>
    %get3A_10 = vector.shape_cast %get3A_9 : vector<1x1024x1xi32> to vector<1024x1xi32>
    %iota3A = tpu.iota {dimensions = array<i32: 1>} : vector<1024x64xi32>
    %eq3A_11 = vector.broadcast %get3A_10 : vector<1024x1xi32> to vector<1024x64xi32>
    %eq3A_12 = arith.cmpi eq, %iota3A, %eq3A_11 : vector<1024x64xi32>
    %convert_element_type3A_13 = arith.extui %eq3A_12 : vector<1024x64xi1> to vector<1024x64xi32>
    %convert_element_type3A_14 = arith.sitofp %convert_element_type3A_13 : vector<1024x64xi32> to vector<1024x64xf32>
    %get3A_15 = arith.constant 0 : index
    %get3A_16 = arith.constant 0 : index
    %get3A_17 = vector.load %arg5[%get3A_15, %get3A_16] : memref<64x32xf32, #tpu.memory_space<vmem>>, vector<64x32xf32>
    %bitcast_convert_type3A = tpu.bitcast %get3A_17 : vector<64x32xf32> -> vector<64x32xi32>
    %and3A = arith.constant -65536 : i32
    %and3A_18 = vector.broadcast %and3A : i32 to vector<64x32xi32>
    %and3A_19 = arith.andi %bitcast_convert_type3A, %and3A_18 : vector<64x32xi32>
    %bitcast_convert_type3A_20 = tpu.bitcast %and3A_19 : vector<64x32xi32> -> vector<64x32xf32>
    %sub3A = arith.subf %get3A_17, %bitcast_convert_type3A_20 : vector<64x32xf32>
    %bitcast_convert_type3A_21 = tpu.bitcast %sub3A : vector<64x32xf32> -> vector<64x32xi32>
    %and3A_22 = arith.constant -65536 : i32
    %and3A_23 = vector.broadcast %and3A_22 : i32 to vector<64x32xi32>
    %and3A_24 = arith.andi %bitcast_convert_type3A_21, %and3A_23 : vector<64x32xi32>
    %bitcast_convert_type3A_25 = tpu.bitcast %and3A_24 : vector<64x32xi32> -> vector<64x32xf32>
    %sub3A_26 = arith.subf %sub3A, %bitcast_convert_type3A_25 : vector<64x32xf32>
    %dot_general3A = arith.constant dense<0.000000e+00> : vector<1024x32xf32>
    %dot_general3A_27 = tpu.matmul %convert_element_type3A_14, %bitcast_convert_type3A_20, %dot_general3A {dimension_numbers = #tpu.dot_dimension_numbers<[1], [0], [0], [1], [0, 0, 1, 1], [], []>, transpose_lhs_hint = false} : vector<1024x64xf32>, vector<64x32xf32>, vector<1024x32xf32> -> vector<1024x32xf32>
    %dot_general3A_28 = arith.constant dense<0.000000e+00> : vector<1024x32xf32>
    %dot_general3A_29 = tpu.matmul %convert_element_type3A_14, %bitcast_convert_type3A_25, %dot_general3A_28 {dimension_numbers = #tpu.dot_dimension_numbers<[1], [0], [0], [1], [0, 0, 1, 1], [], []>, transpose_lhs_hint = false} : vector<1024x64xf32>, vector<64x32xf32>, vector<1024x32xf32> -> vector<1024x32xf32>
    %add3A = arith.addf %dot_general3A_27, %dot_general3A_29 : vector<1024x32xf32>
    %dot_general3A_30 = arith.constant dense<0.000000e+00> : vector<1024x32xf32>
    %dot_general3A_31 = tpu.matmul %convert_element_type3A_14, %sub3A_26, %dot_general3A_30 {dimension_numbers = #tpu.dot_dimension_numbers<[1], [0], [0], [1], [0, 0, 1, 1], [], []>, transpose_lhs_hint = false} : vector<1024x64xf32>, vector<64x32xf32>, vector<1024x32xf32> -> vector<1024x32xf32>
    %add3A_32 = arith.addf %add3A, %dot_general3A_31 : vector<1024x32xf32>
    %concatenate3A = tpu.concatenate %get3A_5, %add3A_32 in 1 : vector<1024x128xf32>, vector<1024x32xf32> -> vector<1024x160xf32>
    %reduce_sum3A = arith.constant dense<0.000000e+00> : vector<1024xf32>
    %reduce_sum3A_33 = vector.multi_reduction <add>, %concatenate3A, %reduce_sum3A [1] : vector<1024x160xf32> to vector<1024xf32>
    %broadcast_in_dim3A = vector.shape_cast %reduce_sum3A_33 : vector<1024xf32> to vector<1024x1xf32>
    %div3A = arith.constant 1.600000e+02 : f32
    %div3A_34 = vector.broadcast %div3A : f32 to vector<1024x1xf32>
    %div3A_35 = arith.divf %broadcast_in_dim3A, %div3A_34 : vector<1024x1xf32>
    %sub3A_36 = vector.broadcast %div3A_35 : vector<1024x1xf32> to vector<1024x160xf32>
    %sub3A_37 = arith.subf %concatenate3A, %sub3A_36 : vector<1024x160xf32>
    %sub3A_38 = vector.broadcast %div3A_35 : vector<1024x1xf32> to vector<1024x160xf32>
    %sub3A_39 = arith.subf %concatenate3A, %sub3A_38 : vector<1024x160xf32>
    %mul3A = arith.mulf %sub3A_37, %sub3A_39 : vector<1024x160xf32>
    %reduce_sum3A_40 = arith.constant dense<0.000000e+00> : vector<1024xf32>
    %reduce_sum3A_41 = vector.multi_reduction <add>, %mul3A, %reduce_sum3A_40 [1] : vector<1024x160xf32> to vector<1024xf32>
    %broadcast_in_dim3A_42 = vector.shape_cast %reduce_sum3A_41 : vector<1024xf32> to vector<1024x1xf32>
    %div3A_43 = arith.constant 1.600000e+02 : f32
    %div3A_44 = vector.broadcast %div3A_43 : f32 to vector<1024x1xf32>
    %div3A_45 = arith.divf %broadcast_in_dim3A_42, %div3A_44 : vector<1024x1xf32>
    %sub3A_46 = vector.broadcast %div3A_35 : vector<1024x1xf32> to vector<1024x160xf32>
    %sub3A_47 = arith.subf %concatenate3A, %sub3A_46 : vector<1024x160xf32>
    %add3A_48 = arith.constant 9.99999974E-6 : f32
    %add3A_49 = vector.broadcast %add3A_48 : f32 to vector<1024x1xf32>
    %add3A_50 = arith.addf %div3A_45, %add3A_49 : vector<1024x1xf32>
    %sqrt3A = math.sqrt %add3A_50 : vector<1024x1xf32>
    %div3A_51 = vector.broadcast %sqrt3A : vector<1024x1xf32> to vector<1024x160xf32>
    %div3A_52 = arith.divf %sub3A_47, %div3A_51 : vector<1024x160xf32>
    %get3A_53 = arith.constant 0 : index
    %get3A_54 = arith.constant 0 : index
    %get3A_55 = vector.load %arg6[%get3A_53, %get3A_54] : memref<1x160xf32, #tpu.memory_space<vmem>>, vector<1x160xf32>
    %mul3A_56 = vector.broadcast %get3A_55 : vector<1x160xf32> to vector<1024x160xf32>
    %mul3A_57 = arith.mulf %div3A_52, %mul3A_56 : vector<1024x160xf32>
    %get3A_58 = arith.constant 0 : index
    %get3A_59 = arith.constant 0 : index
    %get3A_60 = vector.load %arg7[%get3A_58, %get3A_59] : memref<1x160xf32, #tpu.memory_space<vmem>>, vector<1x160xf32>
    %add3A_61 = vector.broadcast %get3A_60 : vector<1x160xf32> to vector<1024x160xf32>
    %add3A_62 = arith.addf %mul3A_57, %add3A_61 : vector<1024x160xf32>
    %get3A_63 = arith.constant 0 : index
    %get3A_64 = arith.constant 0 : index
    %get3A_65 = vector.load %arg16[%get3A_63, %get3A_64] : memref<1024x128xf32, #tpu.memory_space<vmem>>, vector<1024x128xf32>
    %get3A_66 = arith.constant 0 : index
    %get3A_67 = arith.constant 0 : index
    %get3A_68 = vector.load %arg17[%get3A_66, %get3A_67] : memref<1024x128xf32, #tpu.memory_space<vmem>>, vector<1024x128xf32>
    %get3A_69 = arith.constant 0 : index
    %get3A_70 = arith.constant 0 : index
    %get3A_71 = vector.load %arg8[%get3A_69, %get3A_70] : memref<160x512xf32, #tpu.memory_space<vmem>>, vector<160x512xf32>
    %dot_general3A_72 = arith.constant dense<0.000000e+00> : vector<1024x512xf32>
    %dot_general3A_73 = tpu.matmul %add3A_62, %get3A_71, %dot_general3A_72 {dimension_numbers = #tpu.dot_dimension_numbers<[1], [0], [0], [1], [0, 0, 1, 1], [], []>, transpose_lhs_hint = false} : vector<1024x160xf32>, vector<160x512xf32>, vector<1024x512xf32> -> vector<1024x512xf32>
    %get3A_74 = arith.constant 0 : index
    %get3A_75 = arith.constant 0 : index
    %get3A_76 = vector.load %arg9[%get3A_74, %get3A_75] : memref<128x512xf32, #tpu.memory_space<vmem>>, vector<128x512xf32>
    %dot_general3A_77 = arith.constant dense<0.000000e+00> : vector<1024x512xf32>
    %dot_general3A_78 = tpu.matmul %get3A_65, %get3A_76, %dot_general3A_77 {dimension_numbers = #tpu.dot_dimension_numbers<[1], [0], [0], [1], [0, 0, 1, 1], [], []>, transpose_lhs_hint = false} : vector<1024x128xf32>, vector<128x512xf32>, vector<1024x512xf32> -> vector<1024x512xf32>
    %add3A_79 = arith.addf %dot_general3A_73, %dot_general3A_78 : vector<1024x512xf32>
    %get3A_80 = arith.constant 0 : index
    %get3A_81 = arith.constant 0 : index
    %get3A_82 = vector.load %arg10[%get3A_80, %get3A_81] : memref<1x512xf32, #tpu.memory_space<vmem>>, vector<1x512xf32>
    %add3A_83 = vector.broadcast %get3A_82 : vector<1x512xf32> to vector<1024x512xf32>
    %add3A_84 = arith.addf %add3A_79, %add3A_83 : vector<1024x512xf32>
    %slice3A = vector.extract_strided_slice %add3A_84 {offsets = [0, 0], sizes = [1024, 128], strides = [1, 1]} : vector<1024x512xf32> to vector<1024x128xf32>
    %logistic3A = arith.negf %slice3A : vector<1024x128xf32>
    %logistic3A_85 = math.exp %logistic3A : vector<1024x128xf32>
    %logistic3A_86 = arith.constant 1.000000e+00 : f32
    %logistic3A_87 = vector.broadcast %logistic3A_86 : f32 to vector<1024x128xf32>
    %logistic3A_88 = arith.addf %logistic3A_87, %logistic3A_85 : vector<1024x128xf32>
    %logistic3A_89 = arith.divf %logistic3A_87, %logistic3A_88 : vector<1024x128xf32>
    %slice3A_90 = vector.extract_strided_slice %add3A_84 {offsets = [0, 128], sizes = [1024, 128], strides = [1, 1]} : vector<1024x512xf32> to vector<1024x128xf32>
    %logistic3A_91 = arith.negf %slice3A_90 : vector<1024x128xf32>
    %logistic3A_92 = math.exp %logistic3A_91 : vector<1024x128xf32>
    %logistic3A_93 = arith.constant 1.000000e+00 : f32
    %logistic3A_94 = vector.broadcast %logistic3A_93 : f32 to vector<1024x128xf32>
    %logistic3A_95 = arith.addf %logistic3A_94, %logistic3A_92 : vector<1024x128xf32>
    %logistic3A_96 = arith.divf %logistic3A_94, %logistic3A_95 : vector<1024x128xf32>
    %slice3A_97 = vector.extract_strided_slice %add3A_84 {offsets = [0, 256], sizes = [1024, 128], strides = [1, 1]} : vector<1024x512xf32> to vector<1024x128xf32>
    %tanh3A = math.tanh %slice3A_97 : vector<1024x128xf32>
    %slice3A_98 = vector.extract_strided_slice %add3A_84 {offsets = [0, 384], sizes = [1024, 128], strides = [1, 1]} : vector<1024x512xf32> to vector<1024x128xf32>
    %logistic3A_99 = arith.negf %slice3A_98 : vector<1024x128xf32>
    %logistic3A_100 = math.exp %logistic3A_99 : vector<1024x128xf32>
    %logistic3A_101 = arith.constant 1.000000e+00 : f32
    %logistic3A_102 = vector.broadcast %logistic3A_101 : f32 to vector<1024x128xf32>
    %logistic3A_103 = arith.addf %logistic3A_102, %logistic3A_100 : vector<1024x128xf32>
    %logistic3A_104 = arith.divf %logistic3A_102, %logistic3A_103 : vector<1024x128xf32>
    %mul3A_105 = arith.mulf %logistic3A_96, %get3A_68 : vector<1024x128xf32>
    %mul3A_106 = arith.mulf %logistic3A_89, %tanh3A : vector<1024x128xf32>
    %add3A_107 = arith.addf %mul3A_105, %mul3A_106 : vector<1024x128xf32>
    %tanh3A_108 = math.tanh %add3A_107 : vector<1024x128xf32>
    %mul3A_109 = arith.mulf %logistic3A_104, %tanh3A_108 : vector<1024x128xf32>
    %swap3A = arith.constant 0 : index
    %swap3A_110 = arith.constant 0 : index
    %swap3A_111 = vector.load %arg16[%swap3A, %swap3A_110] : memref<1024x128xf32, #tpu.memory_space<vmem>>, vector<1024x128xf32>
    tpu.vector_store %arg16[%swap3A, %swap3A_110], %mul3A_109 {strides = array<i32>} : memref<1024x128xf32, #tpu.memory_space<vmem>>, vector<1024x128xf32>,
    %swap3A_112 = arith.constant 0 : index
    %swap3A_113 = arith.constant 0 : index
    %swap3A_114 = vector.load %arg17[%swap3A_112, %swap3A_113] : memref<1024x128xf32, #tpu.memory_space<vmem>>, vector<1024x128xf32>
    tpu.vector_store %arg17[%swap3A_112, %swap3A_113], %add3A_107 {strides = array<i32>} : memref<1024x128xf32, #tpu.memory_space<vmem>>, vector<1024x128xf32>,
    %swap3A_115 = arith.constant 0 : index
    %swap3A_116 = arith.constant 0 : index
    %swap3A_117 = arith.constant 0 : index
    %swap3A_118 = vector.load %arg14[%swap3A_115, %swap3A_116, %swap3A_117] : memref<1x1024x128xf32, #tpu.memory_space<vmem>>, vector<1x1024x128xf32>
    %swap3A_119 = vector.shape_cast %swap3A_118 : vector<1x1024x128xf32> to vector<1024x128xf32>
    %swap3A_120 = vector.shape_cast %mul3A_109 : vector<1024x128xf32> to vector<1x1024x128xf32>
    tpu.vector_store %arg14[%swap3A_115, %swap3A_116, %swap3A_117], %swap3A_120 {strides = array<i32>} : memref<1x1024x128xf32, #tpu.memory_space<vmem>>, vector<1x1024x128xf32>,
    %get3A_121 = arith.constant 0 : index
    %get3A_122 = arith.constant 0 : index
    %get3A_123 = arith.constant 0 : index
    %get3A_124 = vector.load %arg2[%get3A_121, %get3A_122, %get3A_123] : memref<1x1024x128xf32, #tpu.memory_space<vmem>>, vector<1x1024x128xf32>
    %get3A_125 = vector.shape_cast %get3A_124 : vector<1x1024x128xf32> to vector<1024x128xf32>
    %get3A_126 = arith.constant 0 : index
    %get3A_127 = arith.constant 0 : index
    %get3A_128 = arith.constant 0 : index
    %get3A_129 = vector.load %arg4[%get3A_126, %get3A_127, %get3A_128] : memref<1x1024x1xi32, #tpu.memory_space<vmem>>, vector<1x1024x1xi32>
    %get3A_130 = vector.shape_cast %get3A_129 : vector<1x1024x1xi32> to vector<1024x1xi32>
    %iota3A_131 = tpu.iota {dimensions = array<i32: 1>} : vector<1024x64xi32>
    %eq3A_132 = vector.broadcast %get3A_130 : vector<1024x1xi32> to vector<1024x64xi32>
    %eq3A_133 = arith.cmpi eq, %iota3A_131, %eq3A_132 : vector<1024x64xi32>
    %convert_element_type3A_134 = arith.extui %eq3A_133 : vector<1024x64xi1> to vector<1024x64xi32>
    %convert_element_type3A_135 = arith.sitofp %convert_element_type3A_134 : vector<1024x64xi32> to vector<1024x64xf32>
    %get3A_136 = arith.constant 0 : index
    %get3A_137 = arith.constant 0 : index
    %get3A_138 = vector.load %arg5[%get3A_136, %get3A_137] : memref<64x32xf32, #tpu.memory_space<vmem>>, vector<64x32xf32>
    %bitcast_convert_type3A_139 = tpu.bitcast %get3A_138 : vector<64x32xf32> -> vector<64x32xi32>
    %and3A_140 = arith.constant -65536 : i32
    %and3A_141 = vector.broadcast %and3A_140 : i32 to vector<64x32xi32>
    %and3A_142 = arith.andi %bitcast_convert_type3A_139, %and3A_141 : vector<64x32xi32>
    %bitcast_convert_type3A_143 = tpu.bitcast %and3A_142 : vector<64x32xi32> -> vector<64x32xf32>
    %sub3A_144 = arith.subf %get3A_138, %bitcast_convert_type3A_143 : vector<64x32xf32>
    %bitcast_convert_type3A_145 = tpu.bitcast %sub3A_144 : vector<64x32xf32> -> vector<64x32xi32>
    %and3A_146 = arith.constant -65536 : i32
    %and3A_147 = vector.broadcast %and3A_146 : i32 to vector<64x32xi32>
    %and3A_148 = arith.andi %bitcast_convert_type3A_145, %and3A_147 : vector<64x32xi32>
    %bitcast_convert_type3A_149 = tpu.bitcast %and3A_148 : vector<64x32xi32> -> vector<64x32xf32>
    %sub3A_150 = arith.subf %sub3A_144, %bitcast_convert_type3A_149 : vector<64x32xf32>
    %dot_general3A_151 = arith.constant dense<0.000000e+00> : vector<1024x32xf32>
    %dot_general3A_152 = tpu.matmul %convert_element_type3A_135, %bitcast_convert_type3A_143, %dot_general3A_151 {dimension_numbers = #tpu.dot_dimension_numbers<[1], [0], [0], [1], [0, 0, 1, 1], [], []>, transpose_lhs_hint = false} : vector<1024x64xf32>, vector<64x32xf32>, vector<1024x32xf32> -> vector<1024x32xf32>
    %dot_general3A_153 = arith.constant dense<0.000000e+00> : vector<1024x32xf32>
    %dot_general3A_154 = tpu.matmul %convert_element_type3A_135, %bitcast_convert_type3A_149, %dot_general3A_153 {dimension_numbers = #tpu.dot_dimension_numbers<[1], [0], [0], [1], [0, 0, 1, 1], [], []>, transpose_lhs_hint = false} : vector<1024x64xf32>, vector<64x32xf32>, vector<1024x32xf32> -> vector<1024x32xf32>
    %add3A_155 = arith.addf %dot_general3A_152, %dot_general3A_154 : vector<1024x32xf32>
    %dot_general3A_156 = arith.constant dense<0.000000e+00> : vector<1024x32xf32>
    %dot_general3A_157 = tpu.matmul %convert_element_type3A_135, %sub3A_150, %dot_general3A_156 {dimension_numbers = #tpu.dot_dimension_numbers<[1], [0], [0], [1], [0, 0, 1, 1], [], []>, transpose_lhs_hint = false} : vector<1024x64xf32>, vector<64x32xf32>, vector<1024x32xf32> -> vector<1024x32xf32>
    %add3A_158 = arith.addf %add3A_155, %dot_general3A_157 : vector<1024x32xf32>
    %concatenate3A_159 = tpu.concatenate %get3A_125, %add3A_158 in 1 : vector<1024x128xf32>, vector<1024x32xf32> -> vector<1024x160xf32>
    %reduce_sum3A_160 = arith.constant dense<0.000000e+00> : vector<1024xf32>
    %reduce_sum3A_161 = vector.multi_reduction <add>, %concatenate3A_159, %reduce_sum3A_160 [1] : vector<1024x160xf32> to vector<1024xf32>
    %broadcast_in_dim3A_162 = vector.shape_cast %reduce_sum3A_161 : vector<1024xf32> to vector<1024x1xf32>
    %div3A_163 = arith.constant 1.600000e+02 : f32
    %div3A_164 = vector.broadcast %div3A_163 : f32 to vector<1024x1xf32>
    %div3A_165 = arith.divf %broadcast_in_dim3A_162, %div3A_164 : vector<1024x1xf32>
    %sub3A_166 = vector.broadcast %div3A_165 : vector<1024x1xf32> to vector<1024x160xf32>
    %sub3A_167 = arith.subf %concatenate3A_159, %sub3A_166 : vector<1024x160xf32>
    %sub3A_168 = vector.broadcast %div3A_165 : vector<1024x1xf32> to vector<1024x160xf32>
    %sub3A_169 = arith.subf %concatenate3A_159, %sub3A_168 : vector<1024x160xf32>
    %mul3A_170 = arith.mulf %sub3A_167, %sub3A_169 : vector<1024x160xf32>
    %reduce_sum3A_171 = arith.constant dense<0.000000e+00> : vector<1024xf32>
    %reduce_sum3A_172 = vector.multi_reduction <add>, %mul3A_170, %reduce_sum3A_171 [1] : vector<1024x160xf32> to vector<1024xf32>
    %broadcast_in_dim3A_173 = vector.shape_cast %reduce_sum3A_172 : vector<1024xf32> to vector<1024x1xf32>
    %div3A_174 = arith.constant 1.600000e+02 : f32
    %div3A_175 = vector.broadcast %div3A_174 : f32 to vector<1024x1xf32>
    %div3A_176 = arith.divf %broadcast_in_dim3A_173, %div3A_175 : vector<1024x1xf32>
    %sub3A_177 = vector.broadcast %div3A_165 : vector<1024x1xf32> to vector<1024x160xf32>
    %sub3A_178 = arith.subf %concatenate3A_159, %sub3A_177 : vector<1024x160xf32>
    %add3A_179 = arith.constant 9.99999974E-6 : f32
    %add3A_180 = vector.broadcast %add3A_179 : f32 to vector<1024x1xf32>
    %add3A_181 = arith.addf %div3A_176, %add3A_180 : vector<1024x1xf32>
    %sqrt3A_182 = math.sqrt %add3A_181 : vector<1024x1xf32>
    %div3A_183 = vector.broadcast %sqrt3A_182 : vector<1024x1xf32> to vector<1024x160xf32>
    %div3A_184 = arith.divf %sub3A_178, %div3A_183 : vector<1024x160xf32>
    %get3A_185 = arith.constant 0 : index
    %get3A_186 = arith.constant 0 : index
    %get3A_187 = vector.load %arg6[%get3A_185, %get3A_186] : memref<1x160xf32, #tpu.memory_space<vmem>>, vector<1x160xf32>
    %mul3A_188 = vector.broadcast %get3A_187 : vector<1x160xf32> to vector<1024x160xf32>
    %mul3A_189 = arith.mulf %div3A_184, %mul3A_188 : vector<1024x160xf32>
    %get3A_190 = arith.constant 0 : index
    %get3A_191 = arith.constant 0 : index
    %get3A_192 = vector.load %arg7[%get3A_190, %get3A_191] : memref<1x160xf32, #tpu.memory_space<vmem>>, vector<1x160xf32>
    %add3A_193 = vector.broadcast %get3A_192 : vector<1x160xf32> to vector<1024x160xf32>
    %add3A_194 = arith.addf %mul3A_189, %add3A_193 : vector<1024x160xf32>
    %get3A_195 = arith.constant 0 : index
    %get3A_196 = arith.constant 0 : index
    %get3A_197 = vector.load %arg18[%get3A_195, %get3A_196] : memref<1024x128xf32, #tpu.memory_space<vmem>>, vector<1024x128xf32>
    %get3A_198 = arith.constant 0 : index
    %get3A_199 = arith.constant 0 : index
    %get3A_200 = vector.load %arg19[%get3A_198, %get3A_199] : memref<1024x128xf32, #tpu.memory_space<vmem>>, vector<1024x128xf32>
    %get3A_201 = arith.constant 0 : index
    %get3A_202 = arith.constant 0 : index
    %get3A_203 = vector.load %arg11[%get3A_201, %get3A_202] : memref<160x512xf32, #tpu.memory_space<vmem>>, vector<160x512xf32>
    %dot_general3A_204 = arith.constant dense<0.000000e+00> : vector<1024x512xf32>
    %dot_general3A_205 = tpu.matmul %add3A_194, %get3A_203, %dot_general3A_204 {dimension_numbers = #tpu.dot_dimension_numbers<[1], [0], [0], [1], [0, 0, 1, 1], [], []>, transpose_lhs_hint = false} : vector<1024x160xf32>, vector<160x512xf32>, vector<1024x512xf32> -> vector<1024x512xf32>
    %get3A_206 = arith.constant 0 : index
    %get3A_207 = arith.constant 0 : index
    %get3A_208 = vector.load %arg12[%get3A_206, %get3A_207] : memref<128x512xf32, #tpu.memory_space<vmem>>, vector<128x512xf32>
    %dot_general3A_209 = arith.constant dense<0.000000e+00> : vector<1024x512xf32>
    %dot_general3A_210 = tpu.matmul %get3A_197, %get3A_208, %dot_general3A_209 {dimension_numbers = #tpu.dot_dimension_numbers<[1], [0], [0], [1], [0, 0, 1, 1], [], []>, transpose_lhs_hint = false} : vector<1024x128xf32>, vector<128x512xf32>, vector<1024x512xf32> -> vector<1024x512xf32>
    %add3A_211 = arith.addf %dot_general3A_205, %dot_general3A_210 : vector<1024x512xf32>
    %get3A_212 = arith.constant 0 : index
    %get3A_213 = arith.constant 0 : index
    %get3A_214 = vector.load %arg13[%get3A_212, %get3A_213] : memref<1x512xf32, #tpu.memory_space<vmem>>, vector<1x512xf32>
    %add3A_215 = vector.broadcast %get3A_214 : vector<1x512xf32> to vector<1024x512xf32>
    %add3A_216 = arith.addf %add3A_211, %add3A_215 : vector<1024x512xf32>
    %slice3A_217 = vector.extract_strided_slice %add3A_216 {offsets = [0, 0], sizes = [1024, 128], strides = [1, 1]} : vector<1024x512xf32> to vector<1024x128xf32>
    %logistic3A_218 = arith.negf %slice3A_217 : vector<1024x128xf32>
    %logistic3A_219 = math.exp %logistic3A_218 : vector<1024x128xf32>
    %logistic3A_220 = arith.constant 1.000000e+00 : f32
    %logistic3A_221 = vector.broadcast %logistic3A_220 : f32 to vector<1024x128xf32>
    %logistic3A_222 = arith.addf %logistic3A_221, %logistic3A_219 : vector<1024x128xf32>
    %logistic3A_223 = arith.divf %logistic3A_221, %logistic3A_222 : vector<1024x128xf32>
    %slice3A_224 = vector.extract_strided_slice %add3A_216 {offsets = [0, 128], sizes = [1024, 128], strides = [1, 1]} : vector<1024x512xf32> to vector<1024x128xf32>
    %logistic3A_225 = arith.negf %slice3A_224 : vector<1024x128xf32>
    %logistic3A_226 = math.exp %logistic3A_225 : vector<1024x128xf32>
    %logistic3A_227 = arith.constant 1.000000e+00 : f32
    %logistic3A_228 = vector.broadcast %logistic3A_227 : f32 to vector<1024x128xf32>
    %logistic3A_229 = arith.addf %logistic3A_228, %logistic3A_226 : vector<1024x128xf32>
    %logistic3A_230 = arith.divf %logistic3A_228, %logistic3A_229 : vector<1024x128xf32>
    %slice3A_231 = vector.extract_strided_slice %add3A_216 {offsets = [0, 256], sizes = [1024, 128], strides = [1, 1]} : vector<1024x512xf32> to vector<1024x128xf32>
    %tanh3A_232 = math.tanh %slice3A_231 : vector<1024x128xf32>
    %slice3A_233 = vector.extract_strided_slice %add3A_216 {offsets = [0, 384], sizes = [1024, 128], strides = [1, 1]} : vector<1024x512xf32> to vector<1024x128xf32>
    %logistic3A_234 = arith.negf %slice3A_233 : vector<1024x128xf32>
    %logistic3A_235 = math.exp %logistic3A_234 : vector<1024x128xf32>
    %logistic3A_236 = arith.constant 1.000000e+00 : f32
    %logistic3A_237 = vector.broadcast %logistic3A_236 : f32 to vector<1024x128xf32>
    %logistic3A_238 = arith.addf %logistic3A_237, %logistic3A_235 : vector<1024x128xf32>
    %logistic3A_239 = arith.divf %logistic3A_237, %logistic3A_238 : vector<1024x128xf32>
    %mul3A_240 = arith.mulf %logistic3A_230, %get3A_200 : vector<1024x128xf32>
    %mul3A_241 = arith.mulf %logistic3A_223, %tanh3A_232 : vector<1024x128xf32>
    %add3A_242 = arith.addf %mul3A_240, %mul3A_241 : vector<1024x128xf32>
    %tanh3A_243 = math.tanh %add3A_242 : vector<1024x128xf32>
    %mul3A_244 = arith.mulf %logistic3A_239, %tanh3A_243 : vector<1024x128xf32>
    %swap3A_245 = arith.constant 0 : index
    %swap3A_246 = arith.constant 0 : index
    %swap3A_247 = vector.load %arg18[%swap3A_245, %swap3A_246] : memref<1024x128xf32, #tpu.memory_space<vmem>>, vector<1024x128xf32>
    tpu.vector_store %arg18[%swap3A_245, %swap3A_246], %mul3A_244 {strides = array<i32>} : memref<1024x128xf32, #tpu.memory_space<vmem>>, vector<1024x128xf32>,
    %swap3A_248 = arith.constant 0 : index
    %swap3A_249 = arith.constant 0 : index
    %swap3A_250 = vector.load %arg19[%swap3A_248, %swap3A_249] : memref<1024x128xf32, #tpu.memory_space<vmem>>, vector<1024x128xf32>
    tpu.vector_store %arg19[%swap3A_248, %swap3A_249], %add3A_242 {strides = array<i32>} : memref<1024x128xf32, #tpu.memory_space<vmem>>, vector<1024x128xf32>,
    %swap3A_251 = arith.constant 0 : index
    %swap3A_252 = arith.constant 0 : index
    %swap3A_253 = arith.constant 0 : index
    %swap3A_254 = vector.load %arg15[%swap3A_251, %swap3A_252, %swap3A_253] : memref<1x1024x128xf32, #tpu.memory_space<vmem>>, vector<1x1024x128xf32>
    %swap3A_255 = vector.shape_cast %swap3A_254 : vector<1x1024x128xf32> to vector<1024x128xf32>
    %swap3A_256 = vector.shape_cast %mul3A_244 : vector<1024x128xf32> to vector<1x1024x128xf32>
    tpu.vector_store %arg15[%swap3A_251, %swap3A_252, %swap3A_253], %swap3A_256 {strides = array<i32>} : memref<1x1024x128xf32, #tpu.memory_space<vmem>>, vector<1x1024x128xf32>,
    return
  }
  func.func @transform_0(%arg0: i32) -> (i32, i32, i32) {
    %c0_i32 = arith.constant 0 : i32
    %c0_i32_0 = arith.constant 0 : i32
    %c0_i32_1 = arith.constant 0 : i32
    return %arg0, %c0_i32, %c0_i32_0 : i32, i32, i32
  }
  func.func @transform_1(%arg0: i32) -> (i32, i32, i32) {
    %sub3A = arith.constant 49 : i32
    %sub3A_0 = arith.subi %sub3A, %arg0 : i32
    %c0_i32 = arith.constant 0 : i32
    %c0_i32_1 = arith.constant 0 : i32
    %c0_i32_2 = arith.constant 0 : i32
    return %sub3A_0, %c0_i32, %c0_i32_1 : i32, i32, i32
  }
  func.func @transform_2(%arg0: i32) -> (i32, i32, i32) {
    %c0_i32 = arith.constant 0 : i32
    %c0_i32_0 = arith.constant 0 : i32
    %c0_i32_1 = arith.constant 0 : i32
    return %arg0, %c0_i32, %c0_i32_0 : i32, i32, i32
  }
  func.func @transform_3(%arg0: i32) -> (i32, i32, i32) {
    %sub3A = arith.constant 49 : i32
    %sub3A_0 = arith.subi %sub3A, %arg0 : i32
    %c0_i32 = arith.constant 0 : i32
    %c0_i32_1 = arith.constant 0 : i32
    %c0_i32_2 = arith.constant 0 : i32
    return %sub3A_0, %c0_i32, %c0_i32_1 : i32, i32, i32
  }
  func.func @transform_4(%arg0: i32) -> (i32, i32) {
    %c0_i32 = arith.constant 0 : i32
    %c0_i32_0 = arith.constant 0 : i32
    %c0_i32_1 = arith.constant 0 : i32
    return %c0_i32, %c0_i32_0 : i32, i32
  }
  func.func @transform_5(%arg0: i32) -> (i32, i32) {
    %c0_i32 = arith.constant 0 : i32
    %c0_i32_0 = arith.constant 0 : i32
    %c0_i32_1 = arith.constant 0 : i32
    return %c0_i32, %c0_i32_0 : i32, i32
  }
  func.func @transform_6(%arg0: i32) -> (i32, i32) {
    %c0_i32 = arith.constant 0 : i32
    %c0_i32_0 = arith.constant 0 : i32
    %c0_i32_1 = arith.constant 0 : i32
    return %c0_i32, %c0_i32_0 : i32, i32
  }
  func.func @transform_7(%arg0: i32) -> (i32, i32) {
    %c0_i32 = arith.constant 0 : i32
    %c0_i32_0 = arith.constant 0 : i32
    %c0_i32_1 = arith.constant 0 : i32
    return %c0_i32, %c0_i32_0 : i32, i32
  }
  func.func @transform_8(%arg0: i32) -> (i32, i32) {
    %c0_i32 = arith.constant 0 : i32
    %c0_i32_0 = arith.constant 0 : i32
    %c0_i32_1 = arith.constant 0 : i32
    return %c0_i32, %c0_i32_0 : i32, i32
  }
  func.func @transform_9(%arg0: i32) -> (i32, i32) {
    %c0_i32 = arith.constant 0 : i32
    %c0_i32_0 = arith.constant 0 : i32
    %c0_i32_1 = arith.constant 0 : i32
    return %c0_i32, %c0_i32_0 : i32, i32
  }
  func.func @transform_10(%arg0: i32) -> (i32, i32) {
    %c0_i32 = arith.constant 0 : i32
    %c0_i32_0 = arith.constant 0 : i32
    %c0_i32_1 = arith.constant 0 : i32
    return %c0_i32, %c0_i32_0 : i32, i32
  }
  func.func @transform_11(%arg0: i32) -> (i32, i32) {
    %c0_i32 = arith.constant 0 : i32
    %c0_i32_0 = arith.constant 0 : i32
    %c0_i32_1 = arith.constant 0 : i32
    return %c0_i32, %c0_i32_0 : i32, i32
  }
  func.func @transform_12(%arg0: i32) -> (i32, i32) {
    %c0_i32 = arith.constant 0 : i32
    %c0_i32_0 = arith.constant 0 : i32
    %c0_i32_1 = arith.constant 0 : i32
    return %c0_i32, %c0_i32_0 : i32, i32
  }
  func.func @transform_13(%arg0: i32) -> (i32, i32, i32) {
    %c0_i32 = arith.constant 0 : i32
    %c0_i32_0 = arith.constant 0 : i32
    %c0_i32_1 = arith.constant 0 : i32
    return %arg0, %c0_i32, %c0_i32_0 : i32, i32, i32
  }
  func.func @transform_14(%arg0: i32) -> (i32, i32, i32) {
    %sub3A = arith.constant 49 : i32
    %sub3A_0 = arith.subi %sub3A, %arg0 : i32
    %c0_i32 = arith.constant 0 : i32
    %c0_i32_1 = arith.constant 0 : i32
    %c0_i32_2 = arith.constant 0 : i32
    return %sub3A_0, %c0_i32, %c0_i32_1 : i32, i32, i32
  }
}

module attributes {stable_mosaic.version = 14 : i64} {
  func.func @body(%arg0: i32, %arg1: memref<2048x128xf32, #tpu.memory_space<vmem>>, %arg2: memref<2048x128xf32, #tpu.memory_space<vmem>>, %arg3: memref<256x128xf32, #tpu.memory_space<vmem>>, %arg4: memref<1x128xf32, #tpu.memory_space<vmem>>, %arg5: memref<128x48xf32, #tpu.memory_space<vmem>>, %arg6: memref<1x48xf32, #tpu.memory_space<vmem>>, %arg7: memref<1x2048x1xi32, #tpu.memory_space<vmem>>, %arg8: memref<1x2048x1xi32, #tpu.memory_space<vmem>>, %arg9: memref<1x1024xi32, #tpu.memory_space<vmem>>, %arg10: memref<2048x48xf32, #tpu.memory_space<vmem>>, %arg11: memref<1x2048x1xi32, #tpu.memory_space<vmem>>, %arg12: memref<1x1xf32, #tpu.memory_space<vmem>>, %arg13: memref<1x1xi32, #tpu.memory_space<vmem>>, %arg14: memref<1x1xi32, #tpu.memory_space<vmem>>) attributes {dimension_semantics = [#tpu.dimension_semantics<arbitrary>], iteration_bounds = array<i64: 25>, scalar_prefetch = 0 : i64, scratch_operands = 0 : i64, tpu.core_type = #tpu.core_type<tc>, window_params = [{transform_indices = @transform_0, window_bounds = array<i64: 2048, 128>}, {transform_indices = @transform_1, window_bounds = array<i64: 2048, 128>}, {pipeline_mode = #tpu.pipeline_mode<synchronous>, transform_indices = @transform_2, window_bounds = array<i64: 256, 128>}, {pipeline_mode = #tpu.pipeline_mode<synchronous>, transform_indices = @transform_3, window_bounds = array<i64: 1, 128>}, {pipeline_mode = #tpu.pipeline_mode<synchronous>, transform_indices = @transform_4, window_bounds = array<i64: 128, 48>}, {pipeline_mode = #tpu.pipeline_mode<synchronous>, transform_indices = @transform_5, window_bounds = array<i64: 1, 48>}, {transform_indices = @transform_6, window_bounds = array<i64: 1, 2048, 1>}, {transform_indices = @transform_7, window_bounds = array<i64: 1, 2048, 1>}, {pipeline_mode = #tpu.pipeline_mode<synchronous>, transform_indices = @transform_8, window_bounds = array<i64: 1, 1024>}, {transform_indices = @transform_9, window_bounds = array<i64: 2048, 48>}, {transform_indices = @transform_10, window_bounds = array<i64: 1, 2048, 1>}, {pipeline_mode = #tpu.pipeline_mode<synchronous>, transform_indices = @transform_11, window_bounds = array<i64: 1, 1>}, {pipeline_mode = #tpu.pipeline_mode<synchronous>, transform_indices = @transform_12, window_bounds = array<i64: 1, 1>}, {pipeline_mode = #tpu.pipeline_mode<synchronous>, transform_indices = @transform_13, window_bounds = array<i64: 1, 1>}]} {
    %get3A = arith.constant 0 : index
    %get3A_0 = arith.constant 0 : index
    %get3A_1 = vector.load %arg1[%get3A, %get3A_0] : memref<2048x128xf32, #tpu.memory_space<vmem>>, vector<2048x128xf32>
    %get3A_2 = arith.constant 0 : index
    %get3A_3 = arith.constant 0 : index
    %get3A_4 = vector.load %arg2[%get3A_2, %get3A_3] : memref<2048x128xf32, #tpu.memory_space<vmem>>, vector<2048x128xf32>
    %concatenate3A = tpu.concatenate %get3A_1, %get3A_4 in 1 : vector<2048x128xf32>, vector<2048x128xf32> -> vector<2048x256xf32>
    %get3A_5 = arith.constant 0 : index
    %get3A_6 = arith.constant 0 : index
    %get3A_7 = vector.load %arg3[%get3A_5, %get3A_6] : memref<256x128xf32, #tpu.memory_space<vmem>>, vector<256x128xf32>
    %dot_general3A = arith.constant dense<0.000000e+00> : vector<2048x128xf32>
    %dot_general3A_8 = tpu.matmul %concatenate3A, %get3A_7, %dot_general3A {dimension_numbers = #tpu.dot_dimension_numbers<[1], [0], [0], [1], [0, 0, 1, 1], [], []>, transpose_lhs_hint = false} : vector<2048x256xf32>, vector<256x128xf32>, vector<2048x128xf32> -> vector<2048x128xf32>
    %get3A_9 = arith.constant 0 : index
    %get3A_10 = arith.constant 0 : index
    %get3A_11 = vector.load %arg4[%get3A_9, %get3A_10] : memref<1x128xf32, #tpu.memory_space<vmem>>, vector<1x128xf32>
    %add3A = vector.broadcast %get3A_11 : vector<1x128xf32> to vector<2048x128xf32>
    %add3A_12 = arith.addf %dot_general3A_8, %add3A : vector<2048x128xf32>
    %gt3A = arith.constant 0.000000e+00 : f32
    %gt3A_13 = vector.broadcast %gt3A : f32 to vector<2048x128xf32>
    %gt3A_14 = arith.cmpf ogt, %add3A_12, %gt3A_13 : vector<2048x128xf32>
    %mul3A = arith.constant 1.000000e-01 : f32
    %mul3A_15 = vector.broadcast %mul3A : f32 to vector<2048x128xf32>
    %mul3A_16 = arith.mulf %mul3A_15, %add3A_12 : vector<2048x128xf32>
    %select_n3A = arith.select %gt3A_14, %add3A_12, %mul3A_16 : vector<2048x128xi1>, vector<2048x128xf32>
    %get3A_17 = arith.constant 0 : index
    %get3A_18 = arith.constant 0 : index
    %get3A_19 = vector.load %arg5[%get3A_17, %get3A_18] : memref<128x48xf32, #tpu.memory_space<vmem>>, vector<128x48xf32>
    %dot_general3A_20 = arith.constant dense<0.000000e+00> : vector<2048x48xf32>
    %dot_general3A_21 = tpu.matmul %select_n3A, %get3A_19, %dot_general3A_20 {dimension_numbers = #tpu.dot_dimension_numbers<[1], [0], [0], [1], [0, 0, 1, 1], [], []>, transpose_lhs_hint = false} : vector<2048x128xf32>, vector<128x48xf32>, vector<2048x48xf32> -> vector<2048x48xf32>
    %get3A_22 = arith.constant 0 : index
    %get3A_23 = arith.constant 0 : index
    %get3A_24 = vector.load %arg6[%get3A_22, %get3A_23] : memref<1x48xf32, #tpu.memory_space<vmem>>, vector<1x48xf32>
    %add3A_25 = vector.broadcast %get3A_24 : vector<1x48xf32> to vector<2048x48xf32>
    %add3A_26 = arith.addf %dot_general3A_21, %add3A_25 : vector<2048x48xf32>
    %swap3A = arith.constant 0 : index
    %swap3A_27 = arith.constant 0 : index
    %swap3A_28 = vector.load %arg10[%swap3A, %swap3A_27] : memref<2048x48xf32, #tpu.memory_space<vmem>>, vector<2048x48xf32>
    tpu.vector_store %arg10[%swap3A, %swap3A_27], %add3A_26 {strides = array<i32>} : memref<2048x48xf32, #tpu.memory_space<vmem>>, vector<2048x48xf32>,
    %reduce_max3A = arith.constant dense<0xFF800000> : vector<2048xf32>
    %reduce_max3A_29 = vector.multi_reduction <maximumf>, %add3A_26, %reduce_max3A [1] : vector<2048x48xf32> to vector<2048xf32>
    %broadcast_in_dim3A = vector.shape_cast %reduce_max3A_29 : vector<2048xf32> to vector<2048x1xf32>
    %sub3A = vector.broadcast %broadcast_in_dim3A : vector<2048x1xf32> to vector<2048x48xf32>
    %sub3A_30 = arith.subf %add3A_26, %sub3A : vector<2048x48xf32>
    %exp3A = math.exp %sub3A_30 : vector<2048x48xf32>
    %reduce_sum3A = arith.constant dense<0.000000e+00> : vector<2048xf32>
    %reduce_sum3A_31 = vector.multi_reduction <add>, %exp3A, %reduce_sum3A [1] : vector<2048x48xf32> to vector<2048xf32>
    %broadcast_in_dim3A_32 = vector.shape_cast %reduce_sum3A_31 : vector<2048xf32> to vector<2048x1xf32>
    %log3A = math.log %broadcast_in_dim3A_32 : vector<2048x1xf32>
    %add3A_33 = arith.addf %log3A, %broadcast_in_dim3A : vector<2048x1xf32>
    %sub3A_34 = vector.broadcast %add3A_33 : vector<2048x1xf32> to vector<2048x48xf32>
    %sub3A_35 = arith.subf %add3A_26, %sub3A_34 : vector<2048x48xf32>
    %get3A_36 = arith.constant 0 : index
    %get3A_37 = arith.constant 0 : index
    %get3A_38 = arith.constant 0 : index
    %get3A_39 = vector.load %arg7[%get3A_36, %get3A_37, %get3A_38] : memref<1x2048x1xi32, #tpu.memory_space<vmem>>, vector<1x2048x1xi32>
    %get3A_40 = vector.shape_cast %get3A_39 : vector<1x2048x1xi32> to vector<2048x1xi32>
    %get3A_41 = arith.constant 0 : index
    %get3A_42 = arith.constant 0 : index
    %get3A_43 = arith.constant 0 : index
    %get3A_44 = vector.load %arg8[%get3A_41, %get3A_42, %get3A_43] : memref<1x2048x1xi32, #tpu.memory_space<vmem>>, vector<1x2048x1xi32>
    %get3A_45 = vector.shape_cast %get3A_44 : vector<1x2048x1xi32> to vector<2048x1xi32>
    %gt3A_46 = arith.constant 0 : i32
    %gt3A_47 = vector.broadcast %gt3A_46 : i32 to vector<2048x1xi32>
    %gt3A_48 = arith.cmpi sgt, %get3A_45, %gt3A_47 : vector<2048x1xi32>
    %iota3A = tpu.iota {dimensions = array<i32: 1>} : vector<2048x48xi32>
    %eq3A = vector.broadcast %get3A_40 : vector<2048x1xi32> to vector<2048x48xi32>
    %eq3A_49 = arith.cmpi eq, %iota3A, %eq3A : vector<2048x48xi32>
    %jit3A = arith.constant 0.000000e+00 : f32
    %broadcast_in_dim3A_50 = vector.broadcast %jit3A : f32 to vector<2048x48xf32>
    %select_n3A_51 = arith.select %eq3A_49, %sub3A_35, %broadcast_in_dim3A_50 : vector<2048x48xi1>, vector<2048x48xf32>
    %reduce_sum3A_52 = arith.constant dense<0.000000e+00> : vector<2048xf32>
    %reduce_sum3A_53 = vector.multi_reduction <add>, %select_n3A_51, %reduce_sum3A_52 [1] : vector<2048x48xf32> to vector<2048xf32>
    %broadcast_in_dim3A_54 = vector.shape_cast %reduce_sum3A_53 : vector<2048xf32> to vector<2048x1xf32>
    %neg3A = arith.constant 0.000000e+00 : f32
    %neg3A_55 = vector.broadcast %neg3A : f32 to vector<2048x1xf32>
    %neg3A_56 = arith.subf %neg3A_55, %broadcast_in_dim3A_54 : vector<2048x1xf32>
    %convert_element_type3A = arith.extui %gt3A_48 : vector<2048x1xi1> to vector<2048x1xi32>
    %convert_element_type3A_57 = arith.sitofp %convert_element_type3A : vector<2048x1xi32> to vector<2048x1xf32>
    %mul3A_58 = arith.mulf %neg3A_56, %convert_element_type3A_57 : vector<2048x1xf32>
    %reduce_sum3A_59 = vector.shape_cast %mul3A_58 : vector<2048x1xf32> to vector<1x2048x1xf32>
    %reduce_sum3A_60 = arith.constant dense<0.000000e+00> : vector<1xf32>
    %reduce_sum3A_61 = vector.multi_reduction <add>, %reduce_sum3A_59, %reduce_sum3A_60 [1, 2] : vector<1x2048x1xf32> to vector<1xf32>
    %reduce_sum3A_62 = vector.shape_cast %reduce_sum3A_61 : vector<1xf32> to vector<1x1x1xf32>
    %reduce_sum3A_63 = vector.extract %reduce_sum3A_62[0, 0, 0] : f32 from vector<1x1x1xf32>
    %div3A = arith.constant 1.024000e+03 : f32
    %div3A_64 = arith.divf %reduce_sum3A_63, %div3A : f32
    %reshape3A = vector.broadcast %div3A_64 : f32 to vector<1x1xf32>
    %reduce_max3A_65 = arith.constant dense<0xFF800000> : vector<2048xf32>
    %reduce_max3A_66 = vector.multi_reduction <maximumf>, %add3A_26, %reduce_max3A_65 [1] : vector<2048x48xf32> to vector<2048xf32>
    %broadcast_in_dim3A_67 = vector.shape_cast %reduce_max3A_66 : vector<2048xf32> to vector<2048x1xf32>
    %eq3A_68 = vector.broadcast %broadcast_in_dim3A_67 : vector<2048x1xf32> to vector<2048x48xf32>
    %eq3A_69 = arith.cmpf oeq, %add3A_26, %eq3A_68 : vector<2048x48xf32>
    %jit3A_70 = arith.constant 48 : i32
    %broadcast_in_dim3A_71 = vector.broadcast %jit3A_70 : i32 to vector<2048x48xi32>
    %select_n3A_72 = arith.select %eq3A_69, %iota3A, %broadcast_in_dim3A_71 : vector<2048x48xi1>, vector<2048x48xi32>
    %reduce_min3A = arith.constant dense<2147483647> : vector<2048xi32>
    %reduce_min3A_73 = vector.multi_reduction <minsi>, %select_n3A_72, %reduce_min3A [1] : vector<2048x48xi32> to vector<2048xi32>
    %broadcast_in_dim3A_74 = vector.shape_cast %reduce_min3A_73 : vector<2048xi32> to vector<2048x1xi32>
    %swap3A_75 = arith.constant 0 : index
    %swap3A_76 = arith.constant 0 : index
    %swap3A_77 = arith.constant 0 : index
    %swap3A_78 = vector.load %arg11[%swap3A_75, %swap3A_76, %swap3A_77] : memref<1x2048x1xi32, #tpu.memory_space<vmem>>, vector<1x2048x1xi32>
    %swap3A_79 = vector.shape_cast %swap3A_78 : vector<1x2048x1xi32> to vector<2048x1xi32>
    %swap3A_80 = vector.shape_cast %broadcast_in_dim3A_74 : vector<2048x1xi32> to vector<1x2048x1xi32>
    tpu.vector_store %arg11[%swap3A_75, %swap3A_76, %swap3A_77], %swap3A_80 {strides = array<i32>} : memref<1x2048x1xi32, #tpu.memory_space<vmem>>, vector<1x2048x1xi32>,
    %eq3A_81 = arith.cmpi eq, %get3A_40, %broadcast_in_dim3A_74 : vector<2048x1xi32>
    %and3A = arith.andi %eq3A_81, %gt3A_48 : vector<2048x1xi1>
    %convert_element_type3A_82 = arith.extui %and3A : vector<2048x1xi1> to vector<2048x1xi32>
    %reduce_sum3A_83 = vector.shape_cast %convert_element_type3A_82 : vector<2048x1xi32> to vector<1x2048x1xi32>
    %reduce_sum3A_84 = arith.constant dense<0> : vector<1xi32>
    %reduce_sum3A_85 = vector.multi_reduction <add>, %reduce_sum3A_83, %reduce_sum3A_84 [1, 2] : vector<1x2048x1xi32> to vector<1xi32>
    %reduce_sum3A_86 = vector.shape_cast %reduce_sum3A_85 : vector<1xi32> to vector<1x1x1xi32>
    %reduce_sum3A_87 = vector.extract %reduce_sum3A_86[0, 0, 0] : i32 from vector<1x1x1xi32>
    %reshape3A_88 = vector.broadcast %reduce_sum3A_87 : i32 to vector<1x1xi32>
    %eq3A_89 = arith.constant 0 : i32
    %eq3A_90 = arith.cmpi eq, %arg0, %eq3A_89 : i32
    %convert_element_type3A_91 = arith.extui %eq3A_90 : i1 to i32
    %cond3A = arith.constant 0 : i32
    %cond3A_92 = arith.cmpi ne, %convert_element_type3A_91, %cond3A : i32
    scf.if %cond3A_92 {
      %broadcast_in_dim3A_107 = arith.constant 0.000000e+00 : f32
      %broadcast_in_dim3A_108 = vector.broadcast %broadcast_in_dim3A_107 : f32 to vector<1x1xf32>
      %swap3A_109 = arith.constant 0 : index
      %swap3A_110 = arith.constant 0 : index
      %swap3A_111 = vector.load %arg12[%swap3A_109, %swap3A_110] : memref<1x1xf32, #tpu.memory_space<vmem>>, vector<1x1xf32>
      tpu.vector_store %arg12[%swap3A_109, %swap3A_110], %broadcast_in_dim3A_108 {strides = array<i32>} : memref<1x1xf32, #tpu.memory_space<vmem>>, vector<1x1xf32>,
      %broadcast_in_dim3A_112 = arith.constant 0 : i32
      %broadcast_in_dim3A_113 = vector.broadcast %broadcast_in_dim3A_112 : i32 to vector<1x1xi32>
      %swap3A_114 = arith.constant 0 : index
      %swap3A_115 = arith.constant 0 : index
      %swap3A_116 = vector.load %arg14[%swap3A_114, %swap3A_115] : memref<1x1xi32, #tpu.memory_space<vmem>>, vector<1x1xi32>
      tpu.vector_store %arg14[%swap3A_114, %swap3A_115], %broadcast_in_dim3A_113 {strides = array<i32>} : memref<1x1xi32, #tpu.memory_space<vmem>>, vector<1x1xi32>,
      %get3A_117 = arith.constant 0 : index
      %get3A_118 = arith.constant 0 : index
      %get3A_119 = vector.load %arg9[%get3A_117, %get3A_118] : memref<1x1024xi32, #tpu.memory_space<vmem>>, vector<1x1024xi32>
      %reduce_sum3A_120 = vector.shape_cast %get3A_119 : vector<1x1024xi32> to vector<1x1x1024xi32>
      %reduce_sum3A_121 = arith.constant dense<0> : vector<1xi32>
      %reduce_sum3A_122 = vector.multi_reduction <add>, %reduce_sum3A_120, %reduce_sum3A_121 [1, 2] : vector<1x1x1024xi32> to vector<1xi32>
      %reduce_sum3A_123 = vector.shape_cast %reduce_sum3A_122 : vector<1xi32> to vector<1x1x1xi32>
      %reduce_sum3A_124 = vector.extract %reduce_sum3A_123[0, 0, 0] : i32 from vector<1x1x1xi32>
      %reshape3A_125 = vector.broadcast %reduce_sum3A_124 : i32 to vector<1x1xi32>
      %swap3A_126 = arith.constant 0 : index
      %swap3A_127 = arith.constant 0 : index
      %swap3A_128 = vector.load %arg13[%swap3A_126, %swap3A_127] : memref<1x1xi32, #tpu.memory_space<vmem>>, vector<1x1xi32>
      tpu.vector_store %arg13[%swap3A_126, %swap3A_127], %reshape3A_125 {strides = array<i32>} : memref<1x1xi32, #tpu.memory_space<vmem>>, vector<1x1xi32>,
    } else {
    }
    %get3A_93 = arith.constant 0 : index
    %get3A_94 = arith.constant 0 : index
    %get3A_95 = vector.load %arg12[%get3A_93, %get3A_94] : memref<1x1xf32, #tpu.memory_space<vmem>>, vector<1x1xf32>
    %add3A_96 = arith.addf %get3A_95, %reshape3A : vector<1x1xf32>
    %swap3A_97 = arith.constant 0 : index
    %swap3A_98 = arith.constant 0 : index
    %swap3A_99 = vector.load %arg12[%swap3A_97, %swap3A_98] : memref<1x1xf32, #tpu.memory_space<vmem>>, vector<1x1xf32>
    tpu.vector_store %arg12[%swap3A_97, %swap3A_98], %add3A_96 {strides = array<i32>} : memref<1x1xf32, #tpu.memory_space<vmem>>, vector<1x1xf32>,
    %get3A_100 = arith.constant 0 : index
    %get3A_101 = arith.constant 0 : index
    %get3A_102 = vector.load %arg14[%get3A_100, %get3A_101] : memref<1x1xi32, #tpu.memory_space<vmem>>, vector<1x1xi32>
    %add3A_103 = arith.addi %get3A_102, %reshape3A_88 : vector<1x1xi32>
    %swap3A_104 = arith.constant 0 : index
    %swap3A_105 = arith.constant 0 : index
    %swap3A_106 = vector.load %arg14[%swap3A_104, %swap3A_105] : memref<1x1xi32, #tpu.memory_space<vmem>>, vector<1x1xi32>
    tpu.vector_store %arg14[%swap3A_104, %swap3A_105], %add3A_103 {strides = array<i32>} : memref<1x1xi32, #tpu.memory_space<vmem>>, vector<1x1xi32>,
    return
  }
  func.func @transform_0(%arg0: i32) -> (i32, i32) {
    %c0_i32 = arith.constant 0 : i32
    %c0_i32_0 = arith.constant 0 : i32
    return %arg0, %c0_i32 : i32, i32
  }
  func.func @transform_1(%arg0: i32) -> (i32, i32) {
    %c0_i32 = arith.constant 0 : i32
    %c0_i32_0 = arith.constant 0 : i32
    return %arg0, %c0_i32 : i32, i32
  }
  func.func @transform_2(%arg0: i32) -> (i32, i32) {
    %c0_i32 = arith.constant 0 : i32
    %c0_i32_0 = arith.constant 0 : i32
    %c0_i32_1 = arith.constant 0 : i32
    return %c0_i32, %c0_i32_0 : i32, i32
  }
  func.func @transform_3(%arg0: i32) -> (i32, i32) {
    %c0_i32 = arith.constant 0 : i32
    %c0_i32_0 = arith.constant 0 : i32
    %c0_i32_1 = arith.constant 0 : i32
    return %c0_i32, %c0_i32_0 : i32, i32
  }
  func.func @transform_4(%arg0: i32) -> (i32, i32) {
    %c0_i32 = arith.constant 0 : i32
    %c0_i32_0 = arith.constant 0 : i32
    %c0_i32_1 = arith.constant 0 : i32
    return %c0_i32, %c0_i32_0 : i32, i32
  }
  func.func @transform_5(%arg0: i32) -> (i32, i32) {
    %c0_i32 = arith.constant 0 : i32
    %c0_i32_0 = arith.constant 0 : i32
    %c0_i32_1 = arith.constant 0 : i32
    return %c0_i32, %c0_i32_0 : i32, i32
  }
  func.func @transform_6(%arg0: i32) -> (i32, i32, i32) {
    %c0_i32 = arith.constant 0 : i32
    %c0_i32_0 = arith.constant 0 : i32
    %c0_i32_1 = arith.constant 0 : i32
    return %arg0, %c0_i32, %c0_i32_0 : i32, i32, i32
  }
  func.func @transform_7(%arg0: i32) -> (i32, i32, i32) {
    %c0_i32 = arith.constant 0 : i32
    %c0_i32_0 = arith.constant 0 : i32
    %c0_i32_1 = arith.constant 0 : i32
    return %arg0, %c0_i32, %c0_i32_0 : i32, i32, i32
  }
  func.func @transform_8(%arg0: i32) -> (i32, i32) {
    %c0_i32 = arith.constant 0 : i32
    %c0_i32_0 = arith.constant 0 : i32
    %c0_i32_1 = arith.constant 0 : i32
    return %c0_i32, %c0_i32_0 : i32, i32
  }
  func.func @transform_9(%arg0: i32) -> (i32, i32) {
    %c0_i32 = arith.constant 0 : i32
    %c0_i32_0 = arith.constant 0 : i32
    return %arg0, %c0_i32 : i32, i32
  }
  func.func @transform_10(%arg0: i32) -> (i32, i32, i32) {
    %c0_i32 = arith.constant 0 : i32
    %c0_i32_0 = arith.constant 0 : i32
    %c0_i32_1 = arith.constant 0 : i32
    return %arg0, %c0_i32, %c0_i32_0 : i32, i32, i32
  }
  func.func @transform_11(%arg0: i32) -> (i32, i32) {
    %c0_i32 = arith.constant 0 : i32
    %c0_i32_0 = arith.constant 0 : i32
    %c0_i32_1 = arith.constant 0 : i32
    return %c0_i32, %c0_i32_0 : i32, i32
  }
  func.func @transform_12(%arg0: i32) -> (i32, i32) {
    %c0_i32 = arith.constant 0 : i32
    %c0_i32_0 = arith.constant 0 : i32
    %c0_i32_1 = arith.constant 0 : i32
    return %c0_i32, %c0_i32_0 : i32, i32
  }
  func.func @transform_13(%arg0: i32) -> (i32, i32) {
    %c0_i32 = arith.constant 0 : i32
    %c0_i32_0 = arith.constant 0 : i32
    %c0_i32_1 = arith.constant 0 : i32
    return %c0_i32, %c0_i32_0 : i32, i32
  }
}

</mosaic_0001>

<sc_bundles>
// kernel: kernel.5.cloned.1.call-start
scs
__scs_entry_jumppad:
0x0: {  	(pc) =	sbr.rel $0x88, $3  }
0x1: {  	(tag) =	ssettag $0x0;
	lr =	simm.s32 $0x1  }
0x2: {  	[smem:$0x3F8F] =	sst lr;
	_ =	strace $0xD0000000  }
0x3: {  	_ = 	snop  }
0x4: {  	_ = 	snop  }
0x5: {  	_ = 	snop  }
0x6: {  	_ = 	snop  }
0x7: {  	_ = 	snop  }
__scs_overlays_trampoline_lowered:
0x8: {  	[smem:$0x3F9E] =	sst s0  }
0x9: {  	[smem:$0x3F9F] =	sst s1  }
0xa: {  	[smem:$0x3FA0] =	sst s2  }
0xb: {  	[smem:$0x3FA1] =	sst s3  }
0xc: {  	[smem:$0x3FA2] =	sst s4  }
0xd: {  	[smem:$0x3FA3] =	sst s5  }
0xe: {  	[smem:$0x3FA4] =	sst s6  }
0xf: {  	[smem:$0x3FA5] =	sst s7  }
0x10: {  	[smem:$0x3FA6] =	sst s8  }
0x11: {  	[smem:$0x3FA7] =	sst s9;
	s0 =	simm.s32 @!p0 $0x0  }
0x12: {  	s1 =	sld [smem:$0x3F8D];
	s0 =	simm.s32 @p0 $0x1  }
0x13: {  	[smem:$0x3FA8] =	sst s0;
	s0 =	simm.s32 @!p1 $0x0  }
0x14: {  	s2 =	sld [smem:$0x3F8C];
	s0 =	simm.s32 @p1 $0x1  }
0x15: {  	[smem:$0x3FA9] =	sst s0;
	s0 =	simm.s32 @!p2 $0x0  }
0x16: {  	s3 =	sld [smem:$0x3FDB];
	s0 =	simm.s32 @p2 $0x1  }
0x17: {  	s4 =	simm.s32 $0x1BF5;
	[smem:$0x3FAB] =	sst s0  }
0x18: {  	s0 =	sld [smem:$0x3F8E];
	_ =	swait.ge [sflag:s4], $0x0  }
0x19: {  	s7 =	sld [smem:$0x3F8F]  }
0x1a: {  	s8 =	sadd.s32 $0xFFFFE003, lr  }
0x1b: {  	s9 =	sadd.s32 $0xFFFFFEF7, lr;
	s5 =	simm.s32 $0xFFFFFFFF;
	p2 =	slt.u32 s8, $0xFFFFF086  }
0x1c: {  	p1 =	slt.u32 s9, $0xF7A;
	s5 =	simm.s32 @!p2 $0x0  }
0x1d: {  	s5 =	simm.s32 @p1 $0x1;
	p0 =	seq.s32 s7, s2  }
0x1e: {  	s7 =	smul.u32 @!p0 $0xF7A, s2;
	p2 =	seq.s32 @!p0 s5, $0x0  }
0x1f: {  	s9 =	smul.u32 $0xF7A, s1;
	s8 =	simm.s32 @!p0 $0x1BF5;
	p2 =	por !p2, p0  }
0x20: {  	[sflag:s8] =	ssyncset.s32 @!p0 $0xFFFFF086;
	s6 =	sadd.s32 @!p0 s3, s7;
	s7 =	simm.s32 @!p0 $0x108  }
0x21: {  	s3 =	sadd.s32 s3, s9;
	s6 =	sadd.s32 @!p0 $0x88, s6;
	s7 =	simm.s32 @p2 $0x1082  }
0x22: {  	[simem:s7], [sflag:s8] =	dma.local @!p0 [hbm:s6], $0xF7A  }
0x23: {  	s9 =	sor.u32 $0xD0000000, s2;
	s6 =	simm.s32 $0x108;
	_ =	swait.ge @!p0 [sflag:s8], $0x0  }
0x24: {  	s3 =	sadd.s32 $0x88, s3;
	s6 =	simm.s32 @!p1 $0x1082;
	[sflag:s4] =	ssyncset.s32 $0xFFFFF086  }
0x25: {  	[simem:s6], [sflag:s4] =	dma.local [hbm:s3], $0xF7A  }
0x26: {  	[smem:$0x3F8F] =	sst s1;
	(tag) =	ssettag s2;
	_ =	strace s9  }
0x27: {  	s1 =	sld [smem:$0x3F9F]  }
0x28: {  	s2 =	sld [smem:$0x3FA0]  }
0x29: {  	s4 =	sld [smem:$0x3FA2]  }
0x2a: {  	p0 =	seq.s32 s5, $0x0;
	s5 =	sld [smem:$0x3FA3]  }
0x2b: {  	s6 =	sld [smem:$0x3FA4]  }
0x2c: {  	s7 =	sld [smem:$0x3FA5]  }
0x2d: {  	s3 =	simm.s32 $0x108;
	s8 =	sld [smem:$0x3FA6]  }
0x2e: {  	s3 =	simm.s32 @!p0 $0x1082;
	s9 =	sld [smem:$0x3FA7]  }
0x2f: {  	lr =	sadd.s32 s0, s3;
	s0 =	sld [smem:$0x3F9E]  }
0x30: {  	s3 =	sld [smem:$0x3FA1]  }
0x31: {  	[smem:$0x3FAA] =	sst s10  }
0x32: {  	s10 =	sld [smem:$0x3FA8];
	_ =	sdelay $0x3  }
0x33: {  	p0 =	seq.s32 s10, $0x1;
	s10 =	sld [smem:$0x3FAA];
	_ =	sdelay $0x3  }
0x34: {  	[smem:$0x3FAA] =	sst s10  }
0x35: {  	s10 =	sld [smem:$0x3FA9];
	_ =	sdelay $0x3  }
0x36: {  	p1 =	seq.s32 s10, $0x1;
	s10 =	sld [smem:$0x3FAA];
	_ =	sdelay $0x3  }
0x37: {  	[smem:$0x3FAA] =	sst s10  }
0x38: {  	s10 =	sld [smem:$0x3FAB]  }
0x39: {  	_ = 	snop;
	(pc) =	sbr.ind lr, $3  }
0x3a: {  	_ = 	snop  }
0x3b: {  	_ = 	snop  }
0x3c: {  	p2 =	seq.s32 s10, $0x1;
	s10 =	sld [smem:$0x3FAA]  }
0x3d: {  	_ =	shalt  }
0x3e: {  	_ =	shalt  }
0x3f: {  	_ =	shalt  }
0x40: {  	_ =	shalt  }
0x41: {  	_ =	shalt  }
0x42: {  	_ =	shalt  }
0x43: {  	_ =	shalt  }
0x44: {  	_ =	shalt  }
0x45: {  	_ =	shalt  }
0x46: {  	_ =	shalt  }
0x47: {  	_ =	shalt  }
0x48: {  	_ =	shalt  }
0x49: {  	_ =	shalt  }
0x4a: {  	_ =	shalt  }
0x4b: {  	_ =	shalt  }
0x4c: {  	_ =	shalt  }
0x4d: {  	_ =	shalt  }
0x4e: {  	_ =	shalt  }
0x4f: {  	_ =	shalt  }
0x50: {  	_ =	shalt  }
0x51: {  	_ =	shalt  }
0x52: {  	_ =	shalt  }
0x53: {  	_ =	shalt  }
0x54: {  	_ =	shalt  }
0x55: {  	_ =	shalt  }
0x56: {  	_ =	shalt  }
0x57: {  	_ =	shalt  }
0x58: {  	_ =	shalt  }
0x59: {  	_ =	shalt  }
0x5a: {  	_ =	shalt  }
0x5b: {  	_ =	shalt  }
0x5c: {  	_ =	shalt  }
0x5d: {  	_ =	shalt  }
0x5e: {  	_ =	shalt  }
0x5f: {  	_ =	shalt  }
0x60: {  	_ =	shalt  }
0x61: {  	_ =	shalt  }
0x62: {  	_ =	shalt  }
0x63: {  	_ =	shalt  }
0x64: {  	_ =	shalt  }
0x65: {  	_ =	shalt  }
0x66: {  	_ =	shalt  }
0x67: {  	_ =	shalt  }
0x68: {  	_ =	shalt  }
0x69: {  	_ =	shalt  }
0x6a: {  	_ =	shalt  }
0x6b: {  	_ =	shalt  }
0x6c: {  	_ =	shalt  }
0x6d: {  	_ =	shalt  }
0x6e: {  	_ =	shalt  }
0x6f: {  	_ =	shalt  }
0x70: {  	_ =	shalt  }
0x71: {  	_ =	shalt  }
0x72: {  	_ =	shalt  }
0x73: {  	_ =	shalt  }
0x74: {  	_ =	shalt  }
0x75: {  	_ =	shalt  }
0x76: {  	_ =	shalt  }
0x77: {  	_ =	shalt  }
0x78: {  	_ =	shalt  }
0x79: {  	_ =	shalt  }
0x7a: {  	_ =	shalt  }
0x7b: {  	_ =	shalt  }
0x7c: {  	_ =	shalt  }
0x7d: {  	_ =	shalt  }
0x7e: {  	_ =	shalt  }
0x7f: {  	_ =	shalt  }
0x80: {  	_ =	shalt  }
0x81: {  	_ =	shalt  }
0x82: {  	_ =	shalt  }
0x83: {  	_ =	shalt  }
0x84: {  	_ =	shalt  }
0x85: {  	_ =	shalt  }
0x86: {  	_ =	shalt  }
0x87: {  	_ =	shalt  }
.Lfunc_end0:
.L_simem_size_0:
called_computation_lowered:
.L_overlay_start_0:
0x88: {  	s2 =	sld [smem:$0x3FD9]  }
0x89: {  	s3 =	sld [smem:$0x3FFE];
	_ =	sdelay $0x1  }
0x8a: {  	s1 =	srdreg.scid  }
0x8b: {  	s0 =	sand.u32 $0x1, s1  }
0x8c: {  	s14 =	sshll.u32 s0, $0xA;
	s2 =	sadd.s32 s3, s2  }
0x8d: {  	s2 =	sadd.s32 s2, s14  }
0x8e: {  	[smem:$0x3FB6] =	sst s2  }
0x8f: {  	_ = 	snop  }
0x90: {  	s2 =	sld [smem:$0x3FD0];
	_ =	sdelay $0x2  }
0x91: {  	s4 =	simm.s32 $0xA;
	s5 =	simm.s32 $0x10;
	s15 =	sld [smem:$0x3FC5]  }
0x92: {  	[smem:s5], [sflag:s4] =	dma.local [hbm:s2], $0x1  }
0x93: {  	_ =	swait.eq [sflag:s4], $0x1  }
0x94: {  	[sflag:s4] =	ssyncset.done $0x0  }
0x95: {  	[sflag:s4] =	ssyncadd.s32 $0xFFFFFFFF  }
0x96: {  	s16 =	sld [smem:$0x10];
	(tm) =	ssettm $0x1  }
0x97: {  	s17 =	sld [smem:$0x3FFB];
	_ =	sdelay $0x3  }
0x98: {  	_ =	strace s17  }
0x99: {  	s4 =	sld [smem:$0x3FFC];
	_ =	sdelay $0x3  }
0x9a: {  	_ =	strace s4  }
0x9b: {  	s4 =	sld [smem:$0x3FFD];
	_ =	sdelay $0x3  }
0x9c: {  	_ =	strace s4  }
0x9d: {  	_ =	strace $0x8FFFFFFF  }
0x9e: {  	s18 =	sld [smem:$0x3FDB];
	_ =	sdelay $0x1  }
0x9f: {  	s19 =	simm.s32 $_scs_section_size  }
0xa0: {  	s6 =	simm.s32 $_size__tile_overlayer_lowered;
	s7 =	simm.s32 $_tile_overlayer_lowered  }
0xa1: {  	s22 =	simm.s32 $0x1BFF;
	s21 =	sshll.u32 s7, $0x1;
	s4 =	sadd.s32 s19, s18  }
0xa2: {  	s8 =	simm.s32 $0x0;
	s20 =	sshll.u32 s6, $0x1;
	s6 =	sadd.s32 s21, s4  }
0xa3: {  	[timem:s8], [sflag:s22] =	dma.local [hbm:s6], s20  }
0xa4: {  	_ =	swait.ge [sflag:s22], s20  }
0xa5: {  	s5 =	ssub.s32 $0x0, s20;
	[sflag:s22] =	ssyncset.done $0x0  }
0xa6: {  	[sflag:s22] =	ssyncadd.s32 s5;
	_ =	sdelay $0x1  }
0xa7: {  	s23 =	simm.s32 $0x1B8B  }
0xa8: {  	_ =	swait.ge [sflag:s23], $0x1  }
0xa9: {  	[sflag:s23] =	ssyncset.done $0x0  }
0xaa: {  	s25 =	simm.s32 $0x1B8E;
	s24 =	sld [smem:$0x3FFE];
	[sflag:s23] =	ssyncadd.s32 $0xFFFFFFFF  }
0xab: {  	s26 =	simm.s32 $execute0_lowered;
	[smem:$0x3FD2] =	sst s25  }
0xac: {  	s6 =	sshll.u32 s26, $0x1;
	_ =	strace $0x80000046;
	[dreg:$0x1] =	wrdreg $0xFFFFFFFF  }
0xad: {  	s28 =	simm.s32 $_size_execute0_lowered;
	s4 =	sadd.s32 s4, s6;
	[dreg:$0x0] =	wrdreg $0x0  }
0xae: {  	s6 =	sshll.u32 s28, $0x1;
	[dreg:$0x2] =	wrdreg s4  }
0xaf: {  	[dreg:$0x3] =	wrdreg s6  }
0xb0: {  	[dreg:$0x4] =	wrdreg $0xC0  }
0xb1: {  	_ =	task [dreg:s8], $0x5FFFF  }
0xb2: {  	[dreg:$0x1] =	wrdreg $0xFFFFFFFF  }
0xb3: {  	[dreg:$0x0] =	wrdreg $0x60  }
0xb4: {  	[dreg:$0x2] =	wrdreg s15  }
0xb5: {  	[dreg:$0x3] =	wrdreg s16  }
0xb6: {  	[dreg:$0x4] =	wrdreg s24  }
0xb7: {  	[dreg:$0x5] =	wrdreg $0x9  }
0xb8: {  	_ =	task.clear_ibuf [dreg:s8], $0x6FFFF;
	_ =	strace $0x90000046  }
0xb9: {  	s29 =	simm.s32 $0x9;
	_ =	strace $0x80000048  }
0xba: {  	_ =	swait.ge [sflag:s29], $0x1  }
0xbb: {  	[sflag:s29] =	ssyncadd.s32 $0xFFFFFFFF  }
0xbc: {  	_ =	strace $0x90000048  }
0xbd: {  	_ =	sfence  }
0xbe: {  	s30 =	sld [smem:$0x0];
	_ =	sdelay $0x2  }
0xbf: {  	s31 =	sshll.u32 s1, $0xD;
	s1 =	sshrl.u32 s1, $0x2  }
0xc0: {  	s3 =	sand.u32 $0x4000, s31;
	s1 =	sadd.s32 s1, s30  }
0xc1: {  	s0 =	sor.u32 s3, s0;
	s1 =	sshll.u32 s1, $0x11  }
0xc2: {  	s0 =	sor.u32 s1, s0  }
0xc3: {  	s0 =	sadd.s32 $0x8F2B, s0  }
0xc4: {  	[sflag:s0] =	ssyncadd.remote.s32 $0x1  }
0xc5: {  	_ =	sfence.sel $0xFFFF  }
0xc6: {  	[dreg:$0x0] =	wrdreg $0xFFFFFFFF;
	(pc) =	sbr.abs _section_cstart, $3  }
0xc7: {  	[dreg:$0x1] =	wrdreg $0xFFFFFFFF  }
0xc8: {  	_ =	task.clear_ibuf [dreg:s8], $0x2FFFF;
	_ =	strace $0x9FFFFFFF  }
0xc9: {  	(tm) =	ssettm $0x7FFFFFFF  }
tec
execute0_lowered:
.L_overlay_start_1:
0x0: {  	(tag) =	ssettag $0x1  }
0x1: {  	s1 =	srdreg.scid;
	s0 =	stileid.u32  }
0x2: {  	s1 =	sand.u32 $0x1, s1;
	s3 =	sshll.u32 s0, $0x1  }
0x3: {  	s2 =	rddreg [dreg:$0x0];
	s14 =	sor.u32 s1, s3  }
0x4: {  	s4 =	rddreg [dreg:$0x1];
	s6 =	smul.u32 $0xC8, s14  }
0x5: {  	s5 =	rddreg [dreg:$0x2];
	s3 =	simm.s32 $0x0  }
0x6: {  	[smem:$0x7FF] =	sst s3;
	s25 =	smul.u32 $0x6400, s14;
	s4 =	sadd.s32 s4, s6  }
0x7: {  	s16 =	sadd.s32 $0x2800, s5;
	_ =	strace $0x80000047;
	[dreg:$0x4] =	wrdreg s4  }
0x8: {  	s4 =	sadd.s32 s16, s25;
	s26 =	rddreg [dreg:$0x4]  }
0x9: {  	[dreg:$0x5] =	wrdreg s4;
	s4 =	simm.s32 $0x9  }
0xa: {  	[tilespmem:s3], [sflag:$0x9] =	stream.linear.gather [hbm4b:s26+s3], $0x640, $0x38;
	[tilespmem:$0x19680] =	vst v63  }
0xb: {  	_ =	swait.ge [sflag:s4], $0x640  }
0xc: {  	[sflag:s4] =	ssyncset.done $0x0  }
0xd: {  	s5 =	simm.s32 $0xC8;
	s6 =	simm.s32 $0x680;
	[sflag:s4] =	ssyncadd.s32 $0xFFFFF9C0  }
0xe: {  	[tilespmem:s6], [sflag:$0x1] =	stream.indirect.gather [hbm4b:s2+s5], $0x80, s3, s5, $0xb8;
	[tilespmem:$0x19680] =	vst v63  }
0xf: {  	s7 =	simm.s32 $0x6A80  }
0x10: {  	[tilespmem:s7], [sflag:$0x2] =	stream.indirect.gather [hbm4b:s2+s5], $0x80, s5, s5, $0xb8;
	[tilespmem:$0x19680] =	vst v63  }
0x11: {  	s8 =	simm.s32 $0x190;
	s9 =	simm.s32 $0xCE80  }
0x12: {  	[tilespmem:s9], [sflag:$0x3] =	stream.indirect.gather [hbm4b:s2+s5], $0x80, s8, s5, $0xb8;
	[tilespmem:$0x19680] =	vst v63  }
0x13: {  	s10 =	simm.s32 $0x258;
	s11 =	simm.s32 $0x13280;
	s12 =	simm.s32 $0x1  }
0x14: {  	[tilespmem:s11], [sflag:$0x4] =	stream.indirect.gather [hbm4b:s2+s5], $0x80, s10, s5, $0xb8;
	[tilespmem:$0x19680] =	vst v63  }
0x15: {  	_ =	swait.ge [sflag:s12], $0x6400  }
0x16: {  	[sflag:s12] =	ssyncset.done $0x0  }
0x17: {  	s13 =	simm.s32 $0x5;
	s15 =	rddreg [dreg:$0x5];
	[sflag:s12] =	ssyncadd.s32 $0xFFFF9C00  }
0x18: {  	[hbm4b:s15+s3] =	stream.linear.scatter [tilespmem:s6], [sflag:$0x5], $0x6400, $0x38;
	[tilespmem:$0x19680] =	vst v63  }
0x19: {  	_ =	swait.ge [sflag:s13], $0x6400  }
0x1a: {  	s17 =	smul.u32 $0x32000, s14;
	[sflag:s13] =	ssyncset.done $0x0  }
0x1b: {  	s14 =	simm.s32 $0x320;
	s15 =	simm.s32 $0x2;
	[sflag:s13] =	ssyncadd.s32 $0xFFFF9C00  }
0x1c: {  	[tilespmem:s6], [sflag:$0x1] =	stream.indirect.gather [hbm4b:s2+s5], $0x80, s14, s5, $0xb8;
	[tilespmem:$0x19680] =	vst v63  }
0x1d: {  	s17 =	sshrl.u32 s17, $0x3;
	_ =	swait.ge [sflag:s15], $0x6400  }
0x1e: {  	s31 =	sadd.s32 s16, s17;
	[sflag:s15] =	ssyncset.done $0x0  }
0x1f: {  	s17 =	simm.s32 $0x6;
	s16 =	sadd.s32 $0xC80, s31;
	[sflag:s15] =	ssyncadd.s32 $0xFFFF9C00  }
0x20: {  	[hbm4b:s16+s3] =	stream.linear.scatter [tilespmem:s7], [sflag:$0x6], $0x6400, $0x38;
	[tilespmem:$0x19680] =	vst v63  }
0x21: {  	_ =	swait.ge [sflag:s17], $0x6400  }
0x22: {  	[sflag:s17] =	ssyncset.done $0x0  }
0x23: {  	s18 =	simm.s32 $0x3E8;
	s19 =	simm.s32 $0x3;
	[sflag:s17] =	ssyncadd.s32 $0xFFFF9C00  }
0x24: {  	[tilespmem:s7], [sflag:$0x2] =	stream.indirect.gather [hbm4b:s2+s5], $0x80, s18, s5, $0xb8;
	[tilespmem:$0x19680] =	vst v63  }
0x25: {  	_ =	swait.ge [sflag:s19], $0x6400  }
0x26: {  	[sflag:s19] =	ssyncset.done $0x0  }
0x27: {  	s21 =	simm.s32 $0x7;
	s20 =	sadd.s32 $0x1900, s31;
	[sflag:s19] =	ssyncadd.s32 $0xFFFF9C00  }
0x28: {  	[hbm4b:s20+s3] =	stream.linear.scatter [tilespmem:s9], [sflag:$0x7], $0x6400, $0x38;
	[tilespmem:$0x19680] =	vst v63  }
0x29: {  	_ =	swait.ge [sflag:s21], $0x6400  }
0x2a: {  	[sflag:s21] =	ssyncset.done $0x0  }
0x2b: {  	s22 =	simm.s32 $0x4B0;
	s23 =	simm.s32 $0x4;
	[sflag:s21] =	ssyncadd.s32 $0xFFFF9C00  }
0x2c: {  	[tilespmem:s9], [sflag:$0x3] =	stream.indirect.gather [hbm4b:s2+s5], $0x80, s22, s5, $0xb8;
	[tilespmem:$0x19680] =	vst v63  }
0x2d: {  	_ =	swait.ge [sflag:s23], $0x6400  }
0x2e: {  	[sflag:s23] =	ssyncset.done $0x0  }
0x2f: {  	s24 =	simm.s32 $0x8;
	s25 =	sadd.s32 $0x2580, s31;
	[sflag:s23] =	ssyncadd.s32 $0xFFFF9C00  }
0x30: {  	[hbm4b:s25+s3] =	stream.linear.scatter [tilespmem:s11], [sflag:$0x8], $0x6400, $0x38;
	[tilespmem:$0x19680] =	vst v63  }
0x31: {  	_ =	swait.ge [sflag:s24], $0x6400  }
0x32: {  	[sflag:s24] =	ssyncset.done $0x0  }
0x33: {  	s26 =	simm.s32 $0x578;
	[sflag:s24] =	ssyncadd.s32 $0xFFFF9C00  }
0x34: {  	[tilespmem:s11], [sflag:$0x4] =	stream.indirect.gather [hbm4b:s2+s5], $0x80, s26, s5, $0xb8;
	[tilespmem:$0x19680] =	vst v63  }
0x35: {  	_ =	swait.ge [sflag:s12], $0x6400  }
0x36: {  	[sflag:s12] =	ssyncset.done $0x0  }
0x37: {  	s28 =	sadd.s32 $0x3200, s31;
	[sflag:s12] =	ssyncadd.s32 $0xFFFF9C00  }
0x38: {  	[hbm4b:s28+s3] =	stream.linear.scatter [tilespmem:s6], [sflag:$0x5], $0x6400, $0x38;
	[tilespmem:$0x19680] =	vst v63  }
0x39: {  	_ =	swait.ge [sflag:s15], $0x6400  }
0x3a: {  	[sflag:s15] =	ssyncset.done $0x0  }
0x3b: {  	s29 =	sadd.s32 $0x3E80, s31;
	[sflag:s15] =	ssyncadd.s32 $0xFFFF9C00  }
0x3c: {  	[hbm4b:s29+s3] =	stream.linear.scatter [tilespmem:s7], [sflag:$0x6], $0x6400, $0x38;
	[tilespmem:$0x19680] =	vst v63  }
0x3d: {  	_ =	swait.ge [sflag:s19], $0x6400  }
0x3e: {  	[sflag:s19] =	ssyncset.done $0x0  }
0x3f: {  	s30 =	sadd.s32 $0x4B00, s31;
	[sflag:s19] =	ssyncadd.s32 $0xFFFF9C00  }
0x40: {  	[hbm4b:s30+s3] =	stream.linear.scatter [tilespmem:s9], [sflag:$0x7], $0x6400, $0x38;
	[tilespmem:$0x19680] =	vst v63  }
0x41: {  	_ =	swait.ge [sflag:s23], $0x6400  }
0x42: {  	[sflag:s23] =	ssyncset.done $0x0  }
0x43: {  	s31 =	sadd.s32 $0x5780, s31;
	[sflag:s23] =	ssyncadd.s32 $0xFFFF9C00  }
0x44: {  	[hbm4b:s31+s3] =	stream.linear.scatter [tilespmem:s11], [sflag:$0x8], $0x6400, $0x38;
	[tilespmem:$0x19680] =	vst v63  }
0x45: {  	s1 =	ssub.s32 $0x2, s1;
	_ =	swait.ge [sflag:s13], $0x6400  }
0x46: {  	s0 =	sshrl.u32 s1, $0x1;
	[sflag:s13] =	ssyncset.done $0x0  }
0x47: {  	s0 =	ssub.s32 s1, s0;
	[sflag:s13] =	ssyncadd.s32 $0xFFFF9C00  }
0x48: {  	s0 =	smax.u32 s0, $0x1;
	_ =	swait.ge [sflag:s17], $0x6400  }
0x49: {  	p0 =	sne.s32 s0, $0x1;
	[sflag:s17] =	ssyncset.done $0x0  }
.Ltmp0:
0x4a: {  	[sflag:s17] =	ssyncadd.s32 $0xFFFF9C00;
	(pc) =	sbr.rel @!p0 .LBB2_2-.Ltmp0, $4  }
0x4b: {  	_ =	swait.ge [sflag:s21], $0x6400  }
0x4c: {  	[sflag:s21] =	ssyncset.done $0x0  }
0x4d: {  	[sflag:s21] =	ssyncadd.s32 $0xFFFF9C00  }
0x4e: {  	s1 =	sadd.s32 $0xFFFFFFFF, s0;
	_ =	swait.ge [sflag:s24], $0x6400  }
.LBB2_1:
0x4f: {  	[sflag:s24] =	ssyncset.done $0x0  }
0x50: {  	s0 =	rddreg [dreg:$0x4];
	[sflag:s24] =	ssyncadd.s32 $0xFFFF9C00  }
0x51: {  	[tilespmem:s3], [sflag:$0x9] =	stream.linear.gather [hbm4b:s0+s3], $0x640, $0x38;
	[tilespmem:$0x19680] =	vst v63  }
0x52: {  	_ =	swait.ge [sflag:s4], $0x640  }
0x53: {  	[sflag:s4] =	ssyncset.done $0x0  }
0x54: {  	[sflag:s4] =	ssyncadd.s32 $0xFFFFF9C0  }
0x55: {  	[tilespmem:s6], [sflag:$0x1] =	stream.indirect.gather [hbm4b:s2+s5], $0x80, s3, s5, $0xb8;
	[tilespmem:$0x19680] =	vst v63  }
0x56: {  	_ = 	snop  }
0x57: {  	[tilespmem:s7], [sflag:$0x2] =	stream.indirect.gather [hbm4b:s2+s5], $0x80, s5, s5, $0xb8;
	[tilespmem:$0x19680] =	vst v63  }
0x58: {  	_ = 	snop  }
0x59: {  	[tilespmem:s9], [sflag:$0x3] =	stream.indirect.gather [hbm4b:s2+s5], $0x80, s8, s5, $0xb8;
	[tilespmem:$0x19680] =	vst v63  }
0x5a: {  	_ = 	snop  }
0x5b: {  	[tilespmem:s11], [sflag:$0x4] =	stream.indirect.gather [hbm4b:s2+s5], $0x80, s10, s5, $0xb8;
	[tilespmem:$0x19680] =	vst v63  }
0x5c: {  	_ =	swait.ge [sflag:s12], $0x6400  }
0x5d: {  	[sflag:s12] =	ssyncset.done $0x0  }
0x5e: {  	s0 =	rddreg [dreg:$0x5];
	[sflag:s12] =	ssyncadd.s32 $0xFFFF9C00  }
0x5f: {  	[hbm4b:s0+s3] =	stream.linear.scatter [tilespmem:s6], [sflag:$0x5], $0x6400, $0x38;
	[tilespmem:$0x19680] =	vst v63  }
0x60: {  	_ =	swait.ge [sflag:s13], $0x6400  }
0x61: {  	[sflag:s13] =	ssyncset.done $0x0  }
0x62: {  	[sflag:s13] =	ssyncadd.s32 $0xFFFF9C00  }
0x63: {  	[tilespmem:s6], [sflag:$0x1] =	stream.indirect.gather [hbm4b:s2+s5], $0x80, s14, s5, $0xb8;
	[tilespmem:$0x19680] =	vst v63  }
0x64: {  	_ =	swait.ge [sflag:s15], $0x6400  }
0x65: {  	[sflag:s15] =	ssyncset.done $0x0  }
0x66: {  	[sflag:s15] =	ssyncadd.s32 $0xFFFF9C00  }
0x67: {  	[hbm4b:s16+s3] =	stream.linear.scatter [tilespmem:s7], [sflag:$0x6], $0x6400, $0x38;
	[tilespmem:$0x19680] =	vst v63  }
0x68: {  	_ =	swait.ge [sflag:s17], $0x6400  }
0x69: {  	[sflag:s17] =	ssyncset.done $0x0  }
0x6a: {  	[sflag:s17] =	ssyncadd.s32 $0xFFFF9C00  }
0x6b: {  	[tilespmem:s7], [sflag:$0x2] =	stream.indirect.gather [hbm4b:s2+s5], $0x80, s18, s5, $0xb8;
	[tilespmem:$0x19680] =	vst v63  }
0x6c: {  	_ =	swait.ge [sflag:s19], $0x6400  }
0x6d: {  	[sflag:s19] =	ssyncset.done $0x0  }
0x6e: {  	[sflag:s19] =	ssyncadd.s32 $0xFFFF9C00  }
0x6f: {  	[hbm4b:s20+s3] =	stream.linear.scatter [tilespmem:s9], [sflag:$0x7], $0x6400, $0x38;
	[tilespmem:$0x19680] =	vst v63  }
0x70: {  	_ =	swait.ge [sflag:s21], $0x6400  }
0x71: {  	[sflag:s21] =	ssyncset.done $0x0  }
0x72: {  	[sflag:s21] =	ssyncadd.s32 $0xFFFF9C00  }
0x73: {  	[tilespmem:s9], [sflag:$0x3] =	stream.indirect.gather [hbm4b:s2+s5], $0x80, s22, s5, $0xb8;
	[tilespmem:$0x19680] =	vst v63  }
0x74: {  	_ =	swait.ge [sflag:s23], $0x6400  }
0x75: {  	[sflag:s23] =	ssyncset.done $0x0  }
0x76: {  	[sflag:s23] =	ssyncadd.s32 $0xFFFF9C00  }
0x77: {  	[hbm4b:s25+s3] =	stream.linear.scatter [tilespmem:s11], [sflag:$0x8], $0x6400, $0x38;
	[tilespmem:$0x19680] =	vst v63  }
0x78: {  	_ =	swait.ge [sflag:s24], $0x6400  }
0x79: {  	[sflag:s24] =	ssyncset.done $0x0  }
0x7a: {  	[sflag:s24] =	ssyncadd.s32 $0xFFFF9C00  }
0x7b: {  	[tilespmem:s11], [sflag:$0x4] =	stream.indirect.gather [hbm4b:s2+s5], $0x80, s26, s5, $0xb8;
	[tilespmem:$0x19680] =	vst v63  }
0x7c: {  	_ =	swait.ge [sflag:s12], $0x6400  }
0x7d: {  	[sflag:s12] =	ssyncset.done $0x0  }
0x7e: {  	[sflag:s12] =	ssyncadd.s32 $0xFFFF9C00  }
0x7f: {  	[hbm4b:s28+s3] =	stream.linear.scatter [tilespmem:s6], [sflag:$0x5], $0x6400, $0x38;
	[tilespmem:$0x19680] =	vst v63  }
0x80: {  	_ =	swait.ge [sflag:s15], $0x6400  }
0x81: {  	[sflag:s15] =	ssyncset.done $0x0  }
0x82: {  	[sflag:s15] =	ssyncadd.s32 $0xFFFF9C00  }
0x83: {  	[hbm4b:s29+s3] =	stream.linear.scatter [tilespmem:s7], [sflag:$0x6], $0x6400, $0x38;
	[tilespmem:$0x19680] =	vst v63  }
0x84: {  	_ =	swait.ge [sflag:s19], $0x6400  }
0x85: {  	[sflag:s19] =	ssyncset.done $0x0  }
0x86: {  	[sflag:s19] =	ssyncadd.s32 $0xFFFF9C00  }
0x87: {  	[hbm4b:s30+s3] =	stream.linear.scatter [tilespmem:s9], [sflag:$0x7], $0x6400, $0x38;
	[tilespmem:$0x19680] =	vst v63  }
0x88: {  	_ =	swait.ge [sflag:s23], $0x6400  }
0x89: {  	[sflag:s23] =	ssyncset.done $0x0  }
0x8a: {  	[sflag:s23] =	ssyncadd.s32 $0xFFFF9C00  }
0x8b: {  	[hbm4b:s31+s3] =	stream.linear.scatter [tilespmem:s11], [sflag:$0x8], $0x6400, $0x38;
	[tilespmem:$0x19680] =	vst v63  }
0x8c: {  	_ =	swait.ge [sflag:s13], $0x6400  }
0x8d: {  	[sflag:s13] =	ssyncset.done $0x0  }
0x8e: {  	[sflag:s13] =	ssyncadd.s32 $0xFFFF9C00  }
0x8f: {  	_ =	swait.ge [sflag:s17], $0x6400  }
0x90: {  	p0 =	sne.s32 s1, $0x1;
	[sflag:s17] =	ssyncset.done $0x0  }
.Ltmp1:
0x91: {  	[sflag:s17] =	ssyncadd.s32 $0xFFFF9C00;
	(pc) =	sbr.rel @p0 .LBB2_1-.Ltmp1, $4  }
0x92: {  	_ =	swait.ge [sflag:s21], $0x6400  }
0x93: {  	[sflag:s21] =	ssyncset.done $0x0  }
0x94: {  	[sflag:s21] =	ssyncadd.s32 $0xFFFF9C00  }
0x95: {  	s1 =	sadd.s32 $0xFFFFFFFF, s1;
	_ =	swait.ge [sflag:s24], $0x6400  }
.LBB2_2:
0x96: {  	[sflag:s24] =	ssyncset.done $0x0  }
0x97: {  	[sflag:s24] =	ssyncadd.s32 $0xFFFF9C00  }
0x98: {  	_ =	sfence.sel $0x180000  }
0x99: {  	[bflag:$0x0] =	sbarrier.arrive $0xFFFF  }
0x9a: {  	_ =	strace $0x90000047  }
0x9b: {  	s0 =	stileid.u32;
	[bflag:$0x2] =	sbarrier.arrive $0xFFFF  }
0x9c: {  	p0 =	sne.s32 s0, $0x0;
	s0 =	rddreg [dreg:$0x3]  }
0x9d: {  	s0 =	sadd.s32 @!p0 $0x100000, s0  }
0x9e: {  	[sflag:s0] =	ssyncadd.tile.s32 @!p0 $0x1;
	_ =	shalt  }
.Lfunc_end2:
_tile_overlayer_lowered:
.L_overlay_start_2:
0x9f: {  	(tag) =	ssettag $0x2  }
0xa0: {  	s0 =	rddreg [dreg:$0x0];
	s2 =	stileid.u32  }
0xa1: {  	s1 =	rddreg [dreg:$0x1];
	p0 =	sne.s32 s2, $0x0  }
0xa2: {  	s3 =	rddreg [dreg:$0x2];
	[bflag:$0x3] =	sbarrier.arrive $0xFFFF;
	s2 =	simm.s32 @!p0 $0x1C09  }
0xa3: {  	[timem:s3], [sflag:s2] =	dma.local @!p0 [hbm:s0], s1  }
0xa4: {  	s0 =	simm.s32 @!p0 $0x9  }
0xa5: {  	_ =	swait.ge @!p0 [sflag:s0], s1  }
0xa6: {  	s1 =	ssub.s32 @!p0 $0x0, s1;
	[sflag:s0] =	ssyncset.done @!p0 $0x0  }
0xa7: {  	[sflag:s0] =	ssyncadd.s32 @!p0 s1  }
0xa8: {  	[bflag:$0x3] =	sbarrier.arrive $0xFFFF  }
0xa9: {  	_ =	shalt  }

</sc_bundles>
